<compile_context>
chip_gen: v7x
topology: tpu7x:2x2x1
jax: 0.10.2.dev20260603
libtpu: 0.0.44.dev20260713+nightly
codegen_flags: <defaults>
</compile_context>

<pallas_src>
import jax
import jax.numpy as jnp
from jax.experimental import pallas as pl

_VOCAB = 100000
_VB = 2048
_NB = (_VOCAB + _VB - 1) // _VB
_H = 50


def _logits_kernel(hs_ref, emb_ref, tok_ref, fp_ref, pp_ref, t_ref, out_ref):
    j = pl.program_id(0)
    acc = jax.lax.dot_general(
        hs_ref[...], emb_ref[...],
        dimension_numbers=(((1,), (1,)), ((), ())),
        preferred_element_type=jnp.float32)
    cols = j * _VB + jax.lax.broadcasted_iota(jnp.int32, (1, _VB), 1)
    toks = tok_ref[...]
    counts = jnp.zeros(acc.shape, jnp.float32)
    for h in range(_H):
        counts = counts + (toks[:, h:h + 1] == cols).astype(jnp.float32)
    acc = acc - fp_ref[...] * counts
    acc = acc - pp_ref[...] * (counts > 0).astype(jnp.float32)
    t = jnp.maximum(t_ref[...], 1e-3)
    out_ref[...] = acc / t


def _blockmax_kernel(x_ref, o_ref):
    j = pl.program_id(0)
    cols = j * _VB + jax.lax.broadcasted_iota(jnp.int32, (1, _VB), 1)
    x = jnp.where(cols < _VOCAB, x_ref[...], -1e30)
    v = jnp.max(x, axis=1, keepdims=True)
    lane = jax.lax.broadcasted_iota(jnp.int32, (x.shape[0], _NB), 1)

    @pl.when(j == 0)
    def _():
        o_ref[...] = jnp.full((x.shape[0], _NB), -1e30, jnp.float32)

    o_ref[...] = jnp.where(lane == j, v, o_ref[...])


def _blocksum_kernel(x_ref, m_ref, o_ref):
    j = pl.program_id(0)
    cols = j * _VB + jax.lax.broadcasted_iota(jnp.int32, (1, _VB), 1)
    x = jnp.where(cols < _VOCAB, x_ref[...], -jnp.inf)
    v = jnp.sum(jnp.exp(x - m_ref[...]), axis=1, keepdims=True)
    lane = jax.lax.broadcasted_iota(jnp.int32, (x.shape[0], _NB), 1)

    @pl.when(j == 0)
    def _():
        o_ref[...] = jnp.zeros((x.shape[0], _NB), jnp.float32)

    o_ref[...] = jnp.where(lane == j, v, o_ref[...])


def _probs_kernel(x_ref, m_ref, ls_ref, p_ref, lp_ref):
    lp = x_ref[...] - m_ref[...] - ls_ref[...]
    p_ref[...] = jnp.exp(lp)
    lp_ref[...] = lp


def kernel(embedding, hidden_states, last_token_indices, output_tokens,
           presence_penalties, frequency_penalties, temperatures,
           top_ps, top_ks):
    b = last_token_indices.shape[0]
    hs = jnp.take(hidden_states, last_token_indices, axis=0)
    toks = output_tokens.astype(jnp.int32)
    fp = frequency_penalties[:, None]
    pp = presence_penalties[:, None]
    t = temperatures[:, None]

    logits = pl.pallas_call(
        _logits_kernel,
        grid=(_NB,),
        in_specs=[
            pl.BlockSpec((b, hs.shape[1]), lambda j: (0, 0)),
            pl.BlockSpec((_VB, embedding.shape[1]), lambda j: (j, 0)),
            pl.BlockSpec((b, _H), lambda j: (0, 0)),
            pl.BlockSpec((b, 1), lambda j: (0, 0)),
            pl.BlockSpec((b, 1), lambda j: (0, 0)),
            pl.BlockSpec((b, 1), lambda j: (0, 0)),
        ],
        out_specs=pl.BlockSpec((b, _VB), lambda j: (0, j)),
        out_shape=jax.ShapeDtypeStruct((b, _VOCAB), jnp.float32),
    )(hs, embedding, toks, fp, pp, t)

    sort_idx = jnp.argsort(-logits, axis=-1)
    logits_sort = jnp.take_along_axis(logits, sort_idx, axis=-1)
    probs_sort = jax.nn.softmax(logits_sort, axis=-1)
    probs_sum = jnp.cumsum(probs_sort, axis=-1)
    top_p_mask = (probs_sum - probs_sort) > top_ps[:, None]
    k = jnp.maximum(top_ks, 1)
    top_k_mask = jnp.arange(_VOCAB)[None, :] >= k[:, None]
    logits_sort = jnp.where(top_p_mask | top_k_mask, -1e9, logits_sort)
    inv_idx = jnp.argsort(sort_idx, axis=-1)
    masked = jnp.take_along_axis(logits_sort, inv_idx, axis=-1)

    bm = pl.pallas_call(
        _blockmax_kernel,
        grid=(_NB,),
        in_specs=[pl.BlockSpec((b, _VB), lambda j: (0, j))],
        out_specs=pl.BlockSpec((b, _NB), lambda j: (0, 0)),
        out_shape=jax.ShapeDtypeStruct((b, _NB), jnp.float32),
    )(masked)
    m = jnp.max(bm, axis=1, keepdims=True)

    bs = pl.pallas_call(
        _blocksum_kernel,
        grid=(_NB,),
        in_specs=[
            pl.BlockSpec((b, _VB), lambda j: (0, j)),
            pl.BlockSpec((b, 1), lambda j: (0, 0)),
        ],
        out_specs=pl.BlockSpec((b, _NB), lambda j: (0, 0)),
        out_shape=jax.ShapeDtypeStruct((b, _NB), jnp.float32),
    )(masked, m)
    ls = jnp.log(jnp.sum(bs, axis=1, keepdims=True))

    probs, logprobs = pl.pallas_call(
        _probs_kernel,
        grid=(_NB,),
        in_specs=[
            pl.BlockSpec((b, _VB), lambda j: (0, j)),
            pl.BlockSpec((b, 1), lambda j: (0, 0)),
            pl.BlockSpec((b, 1), lambda j: (0, 0)),
        ],
        out_specs=[
            pl.BlockSpec((b, _VB), lambda j: (0, j)),
            pl.BlockSpec((b, _VB), lambda j: (0, j)),
        ],
        out_shape=[
            jax.ShapeDtypeStruct((b, _VOCAB), jnp.float32),
            jax.ShapeDtypeStruct((b, _VOCAB), jnp.float32),
        ],
    )(masked, m, ls)

    next_tokens = jax.random.categorical(jax.random.key(42), masked, axis=-1)
    return next_tokens, probs, logprobs

# --- scband reference (transcript-rebuilt; emitter-appended) ---
"""Pipeline reference for scband-sampler-40157944217910 (READ-ONLY COPY).

The authoritative reference and input builder live on the scoring server;
editing this copy changes nothing except your own understanding.
"""

import jax, jax.numpy as jnp
import numpy as np

VOCAB = 100000
D = 1024
B = 64
T = 512
H = 50


def setup_inputs(seed: int = 0) -> dict:
    key = jax.random.key(seed)
    ks = jax.random.split(key, 9)
    embedding = jax.random.normal(ks[0], (VOCAB, D), dtype=jnp.float32) * 0.02
    hidden_states = jax.random.normal(ks[1], (T, D), dtype=jnp.float32)
    last_token_indices = jnp.sort(jax.random.randint(ks[2], (B,), 0, T))
    output_tokens = jax.random.randint(ks[3], (B, H), 0, VOCAB)
    presence_penalties = jax.random.uniform(ks[4], (B,), dtype=jnp.float32)
    frequency_penalties = jax.random.uniform(ks[5], (B,), dtype=jnp.float32)
    temperatures = jax.random.uniform(ks[6], (B,), dtype=jnp.float32)
    top_ps = jax.random.uniform(ks[7], (B,), dtype=jnp.float32)
    top_ks = jax.random.randint(ks[8], (B,), 0, VOCAB)
    return {
        'embedding': embedding,
        'hidden_states': hidden_states,
        'last_token_indices': last_token_indices,
        'output_tokens': output_tokens,
        'presence_penalties': presence_penalties,
        'frequency_penalties': frequency_penalties,
        'temperatures': temperatures,
        'top_ps': top_ps,
        'top_ks': top_ks,
    }


def reference(embedding, hidden_states, last_token_indices, output_tokens,
              presence_penalties, frequency_penalties, temperatures,
              top_ps, top_ks):
    vocab = embedding.shape[0]
    # 1. prune hidden states: keep only the last token of each sequence (gather)
    hs = jnp.take(hidden_states, last_token_indices, axis=0)  # [B, D]
    b = hs.shape[0]
    # 2. compute logits
    logits = jnp.matmul(hs, embedding.T)  # [B, vocab]
    logits = logits[:, :vocab]
    # 3. presence and frequency penalties (per-row bincount via scatter-add)
    counts = jnp.zeros((b, vocab), dtype=jnp.float32).at[
        jnp.arange(b)[:, None], output_tokens].add(1.0)
    logits = logits - frequency_penalties[:, None] * counts
    logits = logits - presence_penalties[:, None] * (counts > 0).astype(logits.dtype)
    # 4. temperature scaling (clamp to avoid div-by-zero from uniform fill)
    t = jnp.maximum(temperatures, 1e-3)
    logits = logits / t[:, None]
    # 5. top-p / top-k truncation (sort descending, mask, unsort)
    sort_idx = jnp.argsort(-logits, axis=-1)
    logits_sort = jnp.take_along_axis(logits, sort_idx, axis=-1)
    probs_sort = jax.nn.softmax(logits_sort, axis=-1)
    probs_sum = jnp.cumsum(probs_sort, axis=-1)
    top_p_mask = (probs_sum - probs_sort) > top_ps[:, None]
    k = jnp.maximum(top_ks, 1)
    top_k_mask = jnp.arange(vocab)[None, :] >= k[:, None]
    logits_sort = jnp.where(top_p_mask | top_k_mask, -1e9, logits_sort)
    inv_idx = jnp.argsort(sort_idx, axis=-1)
    logits = jnp.take_along_axis(logits_sort, inv_idx, axis=-1)
    # 6. sample
    probs = jax.nn.softmax(logits, axis=-1).astype(jnp.float32)
    logprobs = jax.nn.log_softmax(logits, axis=-1).astype(jnp.float32)
    next_tokens = jax.random.categorical(jax.random.key(42), logits, axis=-1)
    return next_tokens, probs, logprobs

if __name__ == "__main__":
    import jax
    _d = setup_inputs()
    print(jax.jit(kernel)(*tuple(_d.values())))

</pallas_src>

<mosaic_0001>
module attributes {stable_mosaic.version = 14 : i64} {
  func.func @_logits_kernel(%arg0: i32, %arg1: memref<64x1024xf32, #tpu.memory_space<vmem>>, %arg2: memref<2048x1024xf32, #tpu.memory_space<vmem>>, %arg3: memref<64x50xi32, #tpu.memory_space<vmem>>, %arg4: memref<64x1xf32, #tpu.memory_space<vmem>>, %arg5: memref<64x1xf32, #tpu.memory_space<vmem>>, %arg6: memref<64x1xf32, #tpu.memory_space<vmem>>, %arg7: memref<64x2048xf32, #tpu.memory_space<vmem>>) attributes {dimension_semantics = [#tpu.dimension_semantics<arbitrary>], iteration_bounds = array<i64: 49>, scalar_prefetch = 0 : i64, scratch_operands = 0 : i64, tpu.core_type = #tpu.core_type<tc>, window_params = [{pipeline_mode = #tpu.pipeline_mode<synchronous>, transform_indices = @transform_0, window_bounds = array<i64: 64, 1024>}, {transform_indices = @transform_1, window_bounds = array<i64: 2048, 1024>}, {pipeline_mode = #tpu.pipeline_mode<synchronous>, transform_indices = @transform_2, window_bounds = array<i64: 64, 50>}, {pipeline_mode = #tpu.pipeline_mode<synchronous>, transform_indices = @transform_3, window_bounds = array<i64: 64, 1>}, {pipeline_mode = #tpu.pipeline_mode<synchronous>, transform_indices = @transform_4, window_bounds = array<i64: 64, 1>}, {pipeline_mode = #tpu.pipeline_mode<synchronous>, transform_indices = @transform_5, window_bounds = array<i64: 64, 1>}, {transform_indices = @transform_6, window_bounds = array<i64: 64, 2048>}]} {
    %get3A = arith.constant 0 : index
    %get3A_0 = arith.constant 0 : index
    %get3A_1 = vector.load %arg1[%get3A, %get3A_0] : memref<64x1024xf32, #tpu.memory_space<vmem>>, vector<64x1024xf32>
    %get3A_2 = arith.constant 0 : index
    %get3A_3 = arith.constant 0 : index
    %get3A_4 = vector.load %arg2[%get3A_2, %get3A_3] : memref<2048x1024xf32, #tpu.memory_space<vmem>>, vector<2048x1024xf32>
    %dot_general3A = arith.constant dense<0.000000e+00> : vector<64x2048xf32>
    %dot_general3A_5 = tpu.matmul %get3A_1, %get3A_4, %dot_general3A {dimension_numbers = #tpu.dot_dimension_numbers<[1], [1], [0], [0], [0, 0, 1, 0], [], []>, transpose_lhs_hint = false} : vector<64x1024xf32>, vector<2048x1024xf32>, vector<64x2048xf32> -> vector<64x2048xf32>
    %mul3A = arith.constant 2048 : i32
    %mul3A_6 = arith.muli %arg0, %mul3A : i32
    %iota3A = tpu.iota {dimensions = array<i32: 1>} : vector<1x2048xi32>
    %add3A = vector.broadcast %mul3A_6 : i32 to vector<1x2048xi32>
    %add3A_7 = arith.addi %add3A, %iota3A : vector<1x2048xi32>
    %get3A_8 = arith.constant 0 : index
    %get3A_9 = arith.constant 0 : index
    %get3A_10 = vector.load %arg3[%get3A_8, %get3A_9] : memref<64x50xi32, #tpu.memory_space<vmem>>, vector<64x50xi32>
    %broadcast_in_dim3A = arith.constant 0.000000e+00 : f32
    %broadcast_in_dim3A_11 = vector.broadcast %broadcast_in_dim3A : f32 to vector<64x2048xf32>
    %slice3A = vector.extract_strided_slice %get3A_10 {offsets = [0, 0], sizes = [64, 1], strides = [1, 1]} : vector<64x50xi32> to vector<64x1xi32>
    %eq3A = vector.broadcast %slice3A : vector<64x1xi32> to vector<64x2048xi32>
    %eq3A_12 = vector.broadcast %add3A_7 : vector<1x2048xi32> to vector<64x2048xi32>
    %eq3A_13 = arith.cmpi eq, %eq3A, %eq3A_12 : vector<64x2048xi32>
    %convert_element_type3A = arith.extui %eq3A_13 : vector<64x2048xi1> to vector<64x2048xi32>
    %convert_element_type3A_14 = arith.sitofp %convert_element_type3A : vector<64x2048xi32> to vector<64x2048xf32>
    %add3A_15 = arith.addf %broadcast_in_dim3A_11, %convert_element_type3A_14 : vector<64x2048xf32>
    %slice3A_16 = vector.extract_strided_slice %get3A_10 {offsets = [0, 1], sizes = [64, 1], strides = [1, 1]} : vector<64x50xi32> to vector<64x1xi32>
    %eq3A_17 = vector.broadcast %slice3A_16 : vector<64x1xi32> to vector<64x2048xi32>
    %eq3A_18 = vector.broadcast %add3A_7 : vector<1x2048xi32> to vector<64x2048xi32>
    %eq3A_19 = arith.cmpi eq, %eq3A_17, %eq3A_18 : vector<64x2048xi32>
    %convert_element_type3A_20 = arith.extui %eq3A_19 : vector<64x2048xi1> to vector<64x2048xi32>
    %convert_element_type3A_21 = arith.sitofp %convert_element_type3A_20 : vector<64x2048xi32> to vector<64x2048xf32>
    %add3A_22 = arith.addf %add3A_15, %convert_element_type3A_21 : vector<64x2048xf32>
    %slice3A_23 = vector.extract_strided_slice %get3A_10 {offsets = [0, 2], sizes = [64, 1], strides = [1, 1]} : vector<64x50xi32> to vector<64x1xi32>
    %eq3A_24 = vector.broadcast %slice3A_23 : vector<64x1xi32> to vector<64x2048xi32>
    %eq3A_25 = vector.broadcast %add3A_7 : vector<1x2048xi32> to vector<64x2048xi32>
    %eq3A_26 = arith.cmpi eq, %eq3A_24, %eq3A_25 : vector<64x2048xi32>
    %convert_element_type3A_27 = arith.extui %eq3A_26 : vector<64x2048xi1> to vector<64x2048xi32>
    %convert_element_type3A_28 = arith.sitofp %convert_element_type3A_27 : vector<64x2048xi32> to vector<64x2048xf32>
    %add3A_29 = arith.addf %add3A_22, %convert_element_type3A_28 : vector<64x2048xf32>
    %slice3A_30 = vector.extract_strided_slice %get3A_10 {offsets = [0, 3], sizes = [64, 1], strides = [1, 1]} : vector<64x50xi32> to vector<64x1xi32>
    %eq3A_31 = vector.broadcast %slice3A_30 : vector<64x1xi32> to vector<64x2048xi32>
    %eq3A_32 = vector.broadcast %add3A_7 : vector<1x2048xi32> to vector<64x2048xi32>
    %eq3A_33 = arith.cmpi eq, %eq3A_31, %eq3A_32 : vector<64x2048xi32>
    %convert_element_type3A_34 = arith.extui %eq3A_33 : vector<64x2048xi1> to vector<64x2048xi32>
    %convert_element_type3A_35 = arith.sitofp %convert_element_type3A_34 : vector<64x2048xi32> to vector<64x2048xf32>
    %add3A_36 = arith.addf %add3A_29, %convert_element_type3A_35 : vector<64x2048xf32>
    %slice3A_37 = vector.extract_strided_slice %get3A_10 {offsets = [0, 4], sizes = [64, 1], strides = [1, 1]} : vector<64x50xi32> to vector<64x1xi32>
    %eq3A_38 = vector.broadcast %slice3A_37 : vector<64x1xi32> to vector<64x2048xi32>
    %eq3A_39 = vector.broadcast %add3A_7 : vector<1x2048xi32> to vector<64x2048xi32>
    %eq3A_40 = arith.cmpi eq, %eq3A_38, %eq3A_39 : vector<64x2048xi32>
    %convert_element_type3A_41 = arith.extui %eq3A_40 : vector<64x2048xi1> to vector<64x2048xi32>
    %convert_element_type3A_42 = arith.sitofp %convert_element_type3A_41 : vector<64x2048xi32> to vector<64x2048xf32>
    %add3A_43 = arith.addf %add3A_36, %convert_element_type3A_42 : vector<64x2048xf32>
    %slice3A_44 = vector.extract_strided_slice %get3A_10 {offsets = [0, 5], sizes = [64, 1], strides = [1, 1]} : vector<64x50xi32> to vector<64x1xi32>
    %eq3A_45 = vector.broadcast %slice3A_44 : vector<64x1xi32> to vector<64x2048xi32>
    %eq3A_46 = vector.broadcast %add3A_7 : vector<1x2048xi32> to vector<64x2048xi32>
    %eq3A_47 = arith.cmpi eq, %eq3A_45, %eq3A_46 : vector<64x2048xi32>
    %convert_element_type3A_48 = arith.extui %eq3A_47 : vector<64x2048xi1> to vector<64x2048xi32>
    %convert_element_type3A_49 = arith.sitofp %convert_element_type3A_48 : vector<64x2048xi32> to vector<64x2048xf32>
    %add3A_50 = arith.addf %add3A_43, %convert_element_type3A_49 : vector<64x2048xf32>
    %slice3A_51 = vector.extract_strided_slice %get3A_10 {offsets = [0, 6], sizes = [64, 1], strides = [1, 1]} : vector<64x50xi32> to vector<64x1xi32>
    %eq3A_52 = vector.broadcast %slice3A_51 : vector<64x1xi32> to vector<64x2048xi32>
    %eq3A_53 = vector.broadcast %add3A_7 : vector<1x2048xi32> to vector<64x2048xi32>
    %eq3A_54 = arith.cmpi eq, %eq3A_52, %eq3A_53 : vector<64x2048xi32>
    %convert_element_type3A_55 = arith.extui %eq3A_54 : vector<64x2048xi1> to vector<64x2048xi32>
    %convert_element_type3A_56 = arith.sitofp %convert_element_type3A_55 : vector<64x2048xi32> to vector<64x2048xf32>
    %add3A_57 = arith.addf %add3A_50, %convert_element_type3A_56 : vector<64x2048xf32>
    %slice3A_58 = vector.extract_strided_slice %get3A_10 {offsets = [0, 7], sizes = [64, 1], strides = [1, 1]} : vector<64x50xi32> to vector<64x1xi32>
    %eq3A_59 = vector.broadcast %slice3A_58 : vector<64x1xi32> to vector<64x2048xi32>
    %eq3A_60 = vector.broadcast %add3A_7 : vector<1x2048xi32> to vector<64x2048xi32>
    %eq3A_61 = arith.cmpi eq, %eq3A_59, %eq3A_60 : vector<64x2048xi32>
    %convert_element_type3A_62 = arith.extui %eq3A_61 : vector<64x2048xi1> to vector<64x2048xi32>
    %convert_element_type3A_63 = arith.sitofp %convert_element_type3A_62 : vector<64x2048xi32> to vector<64x2048xf32>
    %add3A_64 = arith.addf %add3A_57, %convert_element_type3A_63 : vector<64x2048xf32>
    %slice3A_65 = vector.extract_strided_slice %get3A_10 {offsets = [0, 8], sizes = [64, 1], strides = [1, 1]} : vector<64x50xi32> to vector<64x1xi32>
    %eq3A_66 = vector.broadcast %slice3A_65 : vector<64x1xi32> to vector<64x2048xi32>
    %eq3A_67 = vector.broadcast %add3A_7 : vector<1x2048xi32> to vector<64x2048xi32>
    %eq3A_68 = arith.cmpi eq, %eq3A_66, %eq3A_67 : vector<64x2048xi32>
    %convert_element_type3A_69 = arith.extui %eq3A_68 : vector<64x2048xi1> to vector<64x2048xi32>
    %convert_element_type3A_70 = arith.sitofp %convert_element_type3A_69 : vector<64x2048xi32> to vector<64x2048xf32>
    %add3A_71 = arith.addf %add3A_64, %convert_element_type3A_70 : vector<64x2048xf32>
    %slice3A_72 = vector.extract_strided_slice %get3A_10 {offsets = [0, 9], sizes = [64, 1], strides = [1, 1]} : vector<64x50xi32> to vector<64x1xi32>
    %eq3A_73 = vector.broadcast %slice3A_72 : vector<64x1xi32> to vector<64x2048xi32>
    %eq3A_74 = vector.broadcast %add3A_7 : vector<1x2048xi32> to vector<64x2048xi32>
    %eq3A_75 = arith.cmpi eq, %eq3A_73, %eq3A_74 : vector<64x2048xi32>
    %convert_element_type3A_76 = arith.extui %eq3A_75 : vector<64x2048xi1> to vector<64x2048xi32>
    %convert_element_type3A_77 = arith.sitofp %convert_element_type3A_76 : vector<64x2048xi32> to vector<64x2048xf32>
    %add3A_78 = arith.addf %add3A_71, %convert_element_type3A_77 : vector<64x2048xf32>
    %slice3A_79 = vector.extract_strided_slice %get3A_10 {offsets = [0, 10], sizes = [64, 1], strides = [1, 1]} : vector<64x50xi32> to vector<64x1xi32>
    %eq3A_80 = vector.broadcast %slice3A_79 : vector<64x1xi32> to vector<64x2048xi32>
    %eq3A_81 = vector.broadcast %add3A_7 : vector<1x2048xi32> to vector<64x2048xi32>
    %eq3A_82 = arith.cmpi eq, %eq3A_80, %eq3A_81 : vector<64x2048xi32>
    %convert_element_type3A_83 = arith.extui %eq3A_82 : vector<64x2048xi1> to vector<64x2048xi32>
    %convert_element_type3A_84 = arith.sitofp %convert_element_type3A_83 : vector<64x2048xi32> to vector<64x2048xf32>
    %add3A_85 = arith.addf %add3A_78, %convert_element_type3A_84 : vector<64x2048xf32>
    %slice3A_86 = vector.extract_strided_slice %get3A_10 {offsets = [0, 11], sizes = [64, 1], strides = [1, 1]} : vector<64x50xi32> to vector<64x1xi32>
    %eq3A_87 = vector.broadcast %slice3A_86 : vector<64x1xi32> to vector<64x2048xi32>
    %eq3A_88 = vector.broadcast %add3A_7 : vector<1x2048xi32> to vector<64x2048xi32>
    %eq3A_89 = arith.cmpi eq, %eq3A_87, %eq3A_88 : vector<64x2048xi32>
    %convert_element_type3A_90 = arith.extui %eq3A_89 : vector<64x2048xi1> to vector<64x2048xi32>
    %convert_element_type3A_91 = arith.sitofp %convert_element_type3A_90 : vector<64x2048xi32> to vector<64x2048xf32>
    %add3A_92 = arith.addf %add3A_85, %convert_element_type3A_91 : vector<64x2048xf32>
    %slice3A_93 = vector.extract_strided_slice %get3A_10 {offsets = [0, 12], sizes = [64, 1], strides = [1, 1]} : vector<64x50xi32> to vector<64x1xi32>
    %eq3A_94 = vector.broadcast %slice3A_93 : vector<64x1xi32> to vector<64x2048xi32>
    %eq3A_95 = vector.broadcast %add3A_7 : vector<1x2048xi32> to vector<64x2048xi32>
    %eq3A_96 = arith.cmpi eq, %eq3A_94, %eq3A_95 : vector<64x2048xi32>
    %convert_element_type3A_97 = arith.extui %eq3A_96 : vector<64x2048xi1> to vector<64x2048xi32>
    %convert_element_type3A_98 = arith.sitofp %convert_element_type3A_97 : vector<64x2048xi32> to vector<64x2048xf32>
    %add3A_99 = arith.addf %add3A_92, %convert_element_type3A_98 : vector<64x2048xf32>
    %slice3A_100 = vector.extract_strided_slice %get3A_10 {offsets = [0, 13], sizes = [64, 1], strides = [1, 1]} : vector<64x50xi32> to vector<64x1xi32>
    %eq3A_101 = vector.broadcast %slice3A_100 : vector<64x1xi32> to vector<64x2048xi32>
    %eq3A_102 = vector.broadcast %add3A_7 : vector<1x2048xi32> to vector<64x2048xi32>
    %eq3A_103 = arith.cmpi eq, %eq3A_101, %eq3A_102 : vector<64x2048xi32>
    %convert_element_type3A_104 = arith.extui %eq3A_103 : vector<64x2048xi1> to vector<64x2048xi32>
    %convert_element_type3A_105 = arith.sitofp %convert_element_type3A_104 : vector<64x2048xi32> to vector<64x2048xf32>
    %add3A_106 = arith.addf %add3A_99, %convert_element_type3A_105 : vector<64x2048xf32>
    %slice3A_107 = vector.extract_strided_slice %get3A_10 {offsets = [0, 14], sizes = [64, 1], strides = [1, 1]} : vector<64x50xi32> to vector<64x1xi32>
    %eq3A_108 = vector.broadcast %slice3A_107 : vector<64x1xi32> to vector<64x2048xi32>
    %eq3A_109 = vector.broadcast %add3A_7 : vector<1x2048xi32> to vector<64x2048xi32>
    %eq3A_110 = arith.cmpi eq, %eq3A_108, %eq3A_109 : vector<64x2048xi32>
    %convert_element_type3A_111 = arith.extui %eq3A_110 : vector<64x2048xi1> to vector<64x2048xi32>
    %convert_element_type3A_112 = arith.sitofp %convert_element_type3A_111 : vector<64x2048xi32> to vector<64x2048xf32>
    %add3A_113 = arith.addf %add3A_106, %convert_element_type3A_112 : vector<64x2048xf32>
    %slice3A_114 = vector.extract_strided_slice %get3A_10 {offsets = [0, 15], sizes = [64, 1], strides = [1, 1]} : vector<64x50xi32> to vector<64x1xi32>
    %eq3A_115 = vector.broadcast %slice3A_114 : vector<64x1xi32> to vector<64x2048xi32>
    %eq3A_116 = vector.broadcast %add3A_7 : vector<1x2048xi32> to vector<64x2048xi32>
    %eq3A_117 = arith.cmpi eq, %eq3A_115, %eq3A_116 : vector<64x2048xi32>
    %convert_element_type3A_118 = arith.extui %eq3A_117 : vector<64x2048xi1> to vector<64x2048xi32>
    %convert_element_type3A_119 = arith.sitofp %convert_element_type3A_118 : vector<64x2048xi32> to vector<64x2048xf32>
    %add3A_120 = arith.addf %add3A_113, %convert_element_type3A_119 : vector<64x2048xf32>
    %slice3A_121 = vector.extract_strided_slice %get3A_10 {offsets = [0, 16], sizes = [64, 1], strides = [1, 1]} : vector<64x50xi32> to vector<64x1xi32>
    %eq3A_122 = vector.broadcast %slice3A_121 : vector<64x1xi32> to vector<64x2048xi32>
    %eq3A_123 = vector.broadcast %add3A_7 : vector<1x2048xi32> to vector<64x2048xi32>
    %eq3A_124 = arith.cmpi eq, %eq3A_122, %eq3A_123 : vector<64x2048xi32>
    %convert_element_type3A_125 = arith.extui %eq3A_124 : vector<64x2048xi1> to vector<64x2048xi32>
    %convert_element_type3A_126 = arith.sitofp %convert_element_type3A_125 : vector<64x2048xi32> to vector<64x2048xf32>
    %add3A_127 = arith.addf %add3A_120, %convert_element_type3A_126 : vector<64x2048xf32>
    %slice3A_128 = vector.extract_strided_slice %get3A_10 {offsets = [0, 17], sizes = [64, 1], strides = [1, 1]} : vector<64x50xi32> to vector<64x1xi32>
    %eq3A_129 = vector.broadcast %slice3A_128 : vector<64x1xi32> to vector<64x2048xi32>
    %eq3A_130 = vector.broadcast %add3A_7 : vector<1x2048xi32> to vector<64x2048xi32>
    %eq3A_131 = arith.cmpi eq, %eq3A_129, %eq3A_130 : vector<64x2048xi32>
    %convert_element_type3A_132 = arith.extui %eq3A_131 : vector<64x2048xi1> to vector<64x2048xi32>
    %convert_element_type3A_133 = arith.sitofp %convert_element_type3A_132 : vector<64x2048xi32> to vector<64x2048xf32>
    %add3A_134 = arith.addf %add3A_127, %convert_element_type3A_133 : vector<64x2048xf32>
    %slice3A_135 = vector.extract_strided_slice %get3A_10 {offsets = [0, 18], sizes = [64, 1], strides = [1, 1]} : vector<64x50xi32> to vector<64x1xi32>
    %eq3A_136 = vector.broadcast %slice3A_135 : vector<64x1xi32> to vector<64x2048xi32>
    %eq3A_137 = vector.broadcast %add3A_7 : vector<1x2048xi32> to vector<64x2048xi32>
    %eq3A_138 = arith.cmpi eq, %eq3A_136, %eq3A_137 : vector<64x2048xi32>
    %convert_element_type3A_139 = arith.extui %eq3A_138 : vector<64x2048xi1> to vector<64x2048xi32>
    %convert_element_type3A_140 = arith.sitofp %convert_element_type3A_139 : vector<64x2048xi32> to vector<64x2048xf32>
    %add3A_141 = arith.addf %add3A_134, %convert_element_type3A_140 : vector<64x2048xf32>
    %slice3A_142 = vector.extract_strided_slice %get3A_10 {offsets = [0, 19], sizes = [64, 1], strides = [1, 1]} : vector<64x50xi32> to vector<64x1xi32>
    %eq3A_143 = vector.broadcast %slice3A_142 : vector<64x1xi32> to vector<64x2048xi32>
    %eq3A_144 = vector.broadcast %add3A_7 : vector<1x2048xi32> to vector<64x2048xi32>
    %eq3A_145 = arith.cmpi eq, %eq3A_143, %eq3A_144 : vector<64x2048xi32>
    %convert_element_type3A_146 = arith.extui %eq3A_145 : vector<64x2048xi1> to vector<64x2048xi32>
    %convert_element_type3A_147 = arith.sitofp %convert_element_type3A_146 : vector<64x2048xi32> to vector<64x2048xf32>
    %add3A_148 = arith.addf %add3A_141, %convert_element_type3A_147 : vector<64x2048xf32>
    %slice3A_149 = vector.extract_strided_slice %get3A_10 {offsets = [0, 20], sizes = [64, 1], strides = [1, 1]} : vector<64x50xi32> to vector<64x1xi32>
    %eq3A_150 = vector.broadcast %slice3A_149 : vector<64x1xi32> to vector<64x2048xi32>
    %eq3A_151 = vector.broadcast %add3A_7 : vector<1x2048xi32> to vector<64x2048xi32>
    %eq3A_152 = arith.cmpi eq, %eq3A_150, %eq3A_151 : vector<64x2048xi32>
    %convert_element_type3A_153 = arith.extui %eq3A_152 : vector<64x2048xi1> to vector<64x2048xi32>
    %convert_element_type3A_154 = arith.sitofp %convert_element_type3A_153 : vector<64x2048xi32> to vector<64x2048xf32>
    %add3A_155 = arith.addf %add3A_148, %convert_element_type3A_154 : vector<64x2048xf32>
    %slice3A_156 = vector.extract_strided_slice %get3A_10 {offsets = [0, 21], sizes = [64, 1], strides = [1, 1]} : vector<64x50xi32> to vector<64x1xi32>
    %eq3A_157 = vector.broadcast %slice3A_156 : vector<64x1xi32> to vector<64x2048xi32>
    %eq3A_158 = vector.broadcast %add3A_7 : vector<1x2048xi32> to vector<64x2048xi32>
    %eq3A_159 = arith.cmpi eq, %eq3A_157, %eq3A_158 : vector<64x2048xi32>
    %convert_element_type3A_160 = arith.extui %eq3A_159 : vector<64x2048xi1> to vector<64x2048xi32>
    %convert_element_type3A_161 = arith.sitofp %convert_element_type3A_160 : vector<64x2048xi32> to vector<64x2048xf32>
    %add3A_162 = arith.addf %add3A_155, %convert_element_type3A_161 : vector<64x2048xf32>
    %slice3A_163 = vector.extract_strided_slice %get3A_10 {offsets = [0, 22], sizes = [64, 1], strides = [1, 1]} : vector<64x50xi32> to vector<64x1xi32>
    %eq3A_164 = vector.broadcast %slice3A_163 : vector<64x1xi32> to vector<64x2048xi32>
    %eq3A_165 = vector.broadcast %add3A_7 : vector<1x2048xi32> to vector<64x2048xi32>
    %eq3A_166 = arith.cmpi eq, %eq3A_164, %eq3A_165 : vector<64x2048xi32>
    %convert_element_type3A_167 = arith.extui %eq3A_166 : vector<64x2048xi1> to vector<64x2048xi32>
    %convert_element_type3A_168 = arith.sitofp %convert_element_type3A_167 : vector<64x2048xi32> to vector<64x2048xf32>
    %add3A_169 = arith.addf %add3A_162, %convert_element_type3A_168 : vector<64x2048xf32>
    %slice3A_170 = vector.extract_strided_slice %get3A_10 {offsets = [0, 23], sizes = [64, 1], strides = [1, 1]} : vector<64x50xi32> to vector<64x1xi32>
    %eq3A_171 = vector.broadcast %slice3A_170 : vector<64x1xi32> to vector<64x2048xi32>
    %eq3A_172 = vector.broadcast %add3A_7 : vector<1x2048xi32> to vector<64x2048xi32>
    %eq3A_173 = arith.cmpi eq, %eq3A_171, %eq3A_172 : vector<64x2048xi32>
    %convert_element_type3A_174 = arith.extui %eq3A_173 : vector<64x2048xi1> to vector<64x2048xi32>
    %convert_element_type3A_175 = arith.sitofp %convert_element_type3A_174 : vector<64x2048xi32> to vector<64x2048xf32>
    %add3A_176 = arith.addf %add3A_169, %convert_element_type3A_175 : vector<64x2048xf32>
    %slice3A_177 = vector.extract_strided_slice %get3A_10 {offsets = [0, 24], sizes = [64, 1], strides = [1, 1]} : vector<64x50xi32> to vector<64x1xi32>
    %eq3A_178 = vector.broadcast %slice3A_177 : vector<64x1xi32> to vector<64x2048xi32>
    %eq3A_179 = vector.broadcast %add3A_7 : vector<1x2048xi32> to vector<64x2048xi32>
    %eq3A_180 = arith.cmpi eq, %eq3A_178, %eq3A_179 : vector<64x2048xi32>
    %convert_element_type3A_181 = arith.extui %eq3A_180 : vector<64x2048xi1> to vector<64x2048xi32>
    %convert_element_type3A_182 = arith.sitofp %convert_element_type3A_181 : vector<64x2048xi32> to vector<64x2048xf32>
    %add3A_183 = arith.addf %add3A_176, %convert_element_type3A_182 : vector<64x2048xf32>
    %slice3A_184 = vector.extract_strided_slice %get3A_10 {offsets = [0, 25], sizes = [64, 1], strides = [1, 1]} : vector<64x50xi32> to vector<64x1xi32>
    %eq3A_185 = vector.broadcast %slice3A_184 : vector<64x1xi32> to vector<64x2048xi32>
    %eq3A_186 = vector.broadcast %add3A_7 : vector<1x2048xi32> to vector<64x2048xi32>
    %eq3A_187 = arith.cmpi eq, %eq3A_185, %eq3A_186 : vector<64x2048xi32>
    %convert_element_type3A_188 = arith.extui %eq3A_187 : vector<64x2048xi1> to vector<64x2048xi32>
    %convert_element_type3A_189 = arith.sitofp %convert_element_type3A_188 : vector<64x2048xi32> to vector<64x2048xf32>
    %add3A_190 = arith.addf %add3A_183, %convert_element_type3A_189 : vector<64x2048xf32>
    %slice3A_191 = vector.extract_strided_slice %get3A_10 {offsets = [0, 26], sizes = [64, 1], strides = [1, 1]} : vector<64x50xi32> to vector<64x1xi32>
    %eq3A_192 = vector.broadcast %slice3A_191 : vector<64x1xi32> to vector<64x2048xi32>
    %eq3A_193 = vector.broadcast %add3A_7 : vector<1x2048xi32> to vector<64x2048xi32>
    %eq3A_194 = arith.cmpi eq, %eq3A_192, %eq3A_193 : vector<64x2048xi32>
    %convert_element_type3A_195 = arith.extui %eq3A_194 : vector<64x2048xi1> to vector<64x2048xi32>
    %convert_element_type3A_196 = arith.sitofp %convert_element_type3A_195 : vector<64x2048xi32> to vector<64x2048xf32>
    %add3A_197 = arith.addf %add3A_190, %convert_element_type3A_196 : vector<64x2048xf32>
    %slice3A_198 = vector.extract_strided_slice %get3A_10 {offsets = [0, 27], sizes = [64, 1], strides = [1, 1]} : vector<64x50xi32> to vector<64x1xi32>
    %eq3A_199 = vector.broadcast %slice3A_198 : vector<64x1xi32> to vector<64x2048xi32>
    %eq3A_200 = vector.broadcast %add3A_7 : vector<1x2048xi32> to vector<64x2048xi32>
    %eq3A_201 = arith.cmpi eq, %eq3A_199, %eq3A_200 : vector<64x2048xi32>
    %convert_element_type3A_202 = arith.extui %eq3A_201 : vector<64x2048xi1> to vector<64x2048xi32>
    %convert_element_type3A_203 = arith.sitofp %convert_element_type3A_202 : vector<64x2048xi32> to vector<64x2048xf32>
    %add3A_204 = arith.addf %add3A_197, %convert_element_type3A_203 : vector<64x2048xf32>
    %slice3A_205 = vector.extract_strided_slice %get3A_10 {offsets = [0, 28], sizes = [64, 1], strides = [1, 1]} : vector<64x50xi32> to vector<64x1xi32>
    %eq3A_206 = vector.broadcast %slice3A_205 : vector<64x1xi32> to vector<64x2048xi32>
    %eq3A_207 = vector.broadcast %add3A_7 : vector<1x2048xi32> to vector<64x2048xi32>
    %eq3A_208 = arith.cmpi eq, %eq3A_206, %eq3A_207 : vector<64x2048xi32>
    %convert_element_type3A_209 = arith.extui %eq3A_208 : vector<64x2048xi1> to vector<64x2048xi32>
    %convert_element_type3A_210 = arith.sitofp %convert_element_type3A_209 : vector<64x2048xi32> to vector<64x2048xf32>
    %add3A_211 = arith.addf %add3A_204, %convert_element_type3A_210 : vector<64x2048xf32>
    %slice3A_212 = vector.extract_strided_slice %get3A_10 {offsets = [0, 29], sizes = [64, 1], strides = [1, 1]} : vector<64x50xi32> to vector<64x1xi32>
    %eq3A_213 = vector.broadcast %slice3A_212 : vector<64x1xi32> to vector<64x2048xi32>
    %eq3A_214 = vector.broadcast %add3A_7 : vector<1x2048xi32> to vector<64x2048xi32>
    %eq3A_215 = arith.cmpi eq, %eq3A_213, %eq3A_214 : vector<64x2048xi32>
    %convert_element_type3A_216 = arith.extui %eq3A_215 : vector<64x2048xi1> to vector<64x2048xi32>
    %convert_element_type3A_217 = arith.sitofp %convert_element_type3A_216 : vector<64x2048xi32> to vector<64x2048xf32>
    %add3A_218 = arith.addf %add3A_211, %convert_element_type3A_217 : vector<64x2048xf32>
    %slice3A_219 = vector.extract_strided_slice %get3A_10 {offsets = [0, 30], sizes = [64, 1], strides = [1, 1]} : vector<64x50xi32> to vector<64x1xi32>
    %eq3A_220 = vector.broadcast %slice3A_219 : vector<64x1xi32> to vector<64x2048xi32>
    %eq3A_221 = vector.broadcast %add3A_7 : vector<1x2048xi32> to vector<64x2048xi32>
    %eq3A_222 = arith.cmpi eq, %eq3A_220, %eq3A_221 : vector<64x2048xi32>
    %convert_element_type3A_223 = arith.extui %eq3A_222 : vector<64x2048xi1> to vector<64x2048xi32>
    %convert_element_type3A_224 = arith.sitofp %convert_element_type3A_223 : vector<64x2048xi32> to vector<64x2048xf32>
    %add3A_225 = arith.addf %add3A_218, %convert_element_type3A_224 : vector<64x2048xf32>
    %slice3A_226 = vector.extract_strided_slice %get3A_10 {offsets = [0, 31], sizes = [64, 1], strides = [1, 1]} : vector<64x50xi32> to vector<64x1xi32>
    %eq3A_227 = vector.broadcast %slice3A_226 : vector<64x1xi32> to vector<64x2048xi32>
    %eq3A_228 = vector.broadcast %add3A_7 : vector<1x2048xi32> to vector<64x2048xi32>
    %eq3A_229 = arith.cmpi eq, %eq3A_227, %eq3A_228 : vector<64x2048xi32>
    %convert_element_type3A_230 = arith.extui %eq3A_229 : vector<64x2048xi1> to vector<64x2048xi32>
    %convert_element_type3A_231 = arith.sitofp %convert_element_type3A_230 : vector<64x2048xi32> to vector<64x2048xf32>
    %add3A_232 = arith.addf %add3A_225, %convert_element_type3A_231 : vector<64x2048xf32>
    %slice3A_233 = vector.extract_strided_slice %get3A_10 {offsets = [0, 32], sizes = [64, 1], strides = [1, 1]} : vector<64x50xi32> to vector<64x1xi32>
    %eq3A_234 = vector.broadcast %slice3A_233 : vector<64x1xi32> to vector<64x2048xi32>
    %eq3A_235 = vector.broadcast %add3A_7 : vector<1x2048xi32> to vector<64x2048xi32>
    %eq3A_236 = arith.cmpi eq, %eq3A_234, %eq3A_235 : vector<64x2048xi32>
    %convert_element_type3A_237 = arith.extui %eq3A_236 : vector<64x2048xi1> to vector<64x2048xi32>
    %convert_element_type3A_238 = arith.sitofp %convert_element_type3A_237 : vector<64x2048xi32> to vector<64x2048xf32>
    %add3A_239 = arith.addf %add3A_232, %convert_element_type3A_238 : vector<64x2048xf32>
    %slice3A_240 = vector.extract_strided_slice %get3A_10 {offsets = [0, 33], sizes = [64, 1], strides = [1, 1]} : vector<64x50xi32> to vector<64x1xi32>
    %eq3A_241 = vector.broadcast %slice3A_240 : vector<64x1xi32> to vector<64x2048xi32>
    %eq3A_242 = vector.broadcast %add3A_7 : vector<1x2048xi32> to vector<64x2048xi32>
    %eq3A_243 = arith.cmpi eq, %eq3A_241, %eq3A_242 : vector<64x2048xi32>
    %convert_element_type3A_244 = arith.extui %eq3A_243 : vector<64x2048xi1> to vector<64x2048xi32>
    %convert_element_type3A_245 = arith.sitofp %convert_element_type3A_244 : vector<64x2048xi32> to vector<64x2048xf32>
    %add3A_246 = arith.addf %add3A_239, %convert_element_type3A_245 : vector<64x2048xf32>
    %slice3A_247 = vector.extract_strided_slice %get3A_10 {offsets = [0, 34], sizes = [64, 1], strides = [1, 1]} : vector<64x50xi32> to vector<64x1xi32>
    %eq3A_248 = vector.broadcast %slice3A_247 : vector<64x1xi32> to vector<64x2048xi32>
    %eq3A_249 = vector.broadcast %add3A_7 : vector<1x2048xi32> to vector<64x2048xi32>
    %eq3A_250 = arith.cmpi eq, %eq3A_248, %eq3A_249 : vector<64x2048xi32>
    %convert_element_type3A_251 = arith.extui %eq3A_250 : vector<64x2048xi1> to vector<64x2048xi32>
    %convert_element_type3A_252 = arith.sitofp %convert_element_type3A_251 : vector<64x2048xi32> to vector<64x2048xf32>
    %add3A_253 = arith.addf %add3A_246, %convert_element_type3A_252 : vector<64x2048xf32>
    %slice3A_254 = vector.extract_strided_slice %get3A_10 {offsets = [0, 35], sizes = [64, 1], strides = [1, 1]} : vector<64x50xi32> to vector<64x1xi32>
    %eq3A_255 = vector.broadcast %slice3A_254 : vector<64x1xi32> to vector<64x2048xi32>
    %eq3A_256 = vector.broadcast %add3A_7 : vector<1x2048xi32> to vector<64x2048xi32>
    %eq3A_257 = arith.cmpi eq, %eq3A_255, %eq3A_256 : vector<64x2048xi32>
    %convert_element_type3A_258 = arith.extui %eq3A_257 : vector<64x2048xi1> to vector<64x2048xi32>
    %convert_element_type3A_259 = arith.sitofp %convert_element_type3A_258 : vector<64x2048xi32> to vector<64x2048xf32>
    %add3A_260 = arith.addf %add3A_253, %convert_element_type3A_259 : vector<64x2048xf32>
    %slice3A_261 = vector.extract_strided_slice %get3A_10 {offsets = [0, 36], sizes = [64, 1], strides = [1, 1]} : vector<64x50xi32> to vector<64x1xi32>
    %eq3A_262 = vector.broadcast %slice3A_261 : vector<64x1xi32> to vector<64x2048xi32>
    %eq3A_263 = vector.broadcast %add3A_7 : vector<1x2048xi32> to vector<64x2048xi32>
    %eq3A_264 = arith.cmpi eq, %eq3A_262, %eq3A_263 : vector<64x2048xi32>
    %convert_element_type3A_265 = arith.extui %eq3A_264 : vector<64x2048xi1> to vector<64x2048xi32>
    %convert_element_type3A_266 = arith.sitofp %convert_element_type3A_265 : vector<64x2048xi32> to vector<64x2048xf32>
    %add3A_267 = arith.addf %add3A_260, %convert_element_type3A_266 : vector<64x2048xf32>
    %slice3A_268 = vector.extract_strided_slice %get3A_10 {offsets = [0, 37], sizes = [64, 1], strides = [1, 1]} : vector<64x50xi32> to vector<64x1xi32>
    %eq3A_269 = vector.broadcast %slice3A_268 : vector<64x1xi32> to vector<64x2048xi32>
    %eq3A_270 = vector.broadcast %add3A_7 : vector<1x2048xi32> to vector<64x2048xi32>
    %eq3A_271 = arith.cmpi eq, %eq3A_269, %eq3A_270 : vector<64x2048xi32>
    %convert_element_type3A_272 = arith.extui %eq3A_271 : vector<64x2048xi1> to vector<64x2048xi32>
    %convert_element_type3A_273 = arith.sitofp %convert_element_type3A_272 : vector<64x2048xi32> to vector<64x2048xf32>
    %add3A_274 = arith.addf %add3A_267, %convert_element_type3A_273 : vector<64x2048xf32>
    %slice3A_275 = vector.extract_strided_slice %get3A_10 {offsets = [0, 38], sizes = [64, 1], strides = [1, 1]} : vector<64x50xi32> to vector<64x1xi32>
    %eq3A_276 = vector.broadcast %slice3A_275 : vector<64x1xi32> to vector<64x2048xi32>
    %eq3A_277 = vector.broadcast %add3A_7 : vector<1x2048xi32> to vector<64x2048xi32>
    %eq3A_278 = arith.cmpi eq, %eq3A_276, %eq3A_277 : vector<64x2048xi32>
    %convert_element_type3A_279 = arith.extui %eq3A_278 : vector<64x2048xi1> to vector<64x2048xi32>
    %convert_element_type3A_280 = arith.sitofp %convert_element_type3A_279 : vector<64x2048xi32> to vector<64x2048xf32>
    %add3A_281 = arith.addf %add3A_274, %convert_element_type3A_280 : vector<64x2048xf32>
    %slice3A_282 = vector.extract_strided_slice %get3A_10 {offsets = [0, 39], sizes = [64, 1], strides = [1, 1]} : vector<64x50xi32> to vector<64x1xi32>
    %eq3A_283 = vector.broadcast %slice3A_282 : vector<64x1xi32> to vector<64x2048xi32>
    %eq3A_284 = vector.broadcast %add3A_7 : vector<1x2048xi32> to vector<64x2048xi32>
    %eq3A_285 = arith.cmpi eq, %eq3A_283, %eq3A_284 : vector<64x2048xi32>
    %convert_element_type3A_286 = arith.extui %eq3A_285 : vector<64x2048xi1> to vector<64x2048xi32>
    %convert_element_type3A_287 = arith.sitofp %convert_element_type3A_286 : vector<64x2048xi32> to vector<64x2048xf32>
    %add3A_288 = arith.addf %add3A_281, %convert_element_type3A_287 : vector<64x2048xf32>
    %slice3A_289 = vector.extract_strided_slice %get3A_10 {offsets = [0, 40], sizes = [64, 1], strides = [1, 1]} : vector<64x50xi32> to vector<64x1xi32>
    %eq3A_290 = vector.broadcast %slice3A_289 : vector<64x1xi32> to vector<64x2048xi32>
    %eq3A_291 = vector.broadcast %add3A_7 : vector<1x2048xi32> to vector<64x2048xi32>
    %eq3A_292 = arith.cmpi eq, %eq3A_290, %eq3A_291 : vector<64x2048xi32>
    %convert_element_type3A_293 = arith.extui %eq3A_292 : vector<64x2048xi1> to vector<64x2048xi32>
    %convert_element_type3A_294 = arith.sitofp %convert_element_type3A_293 : vector<64x2048xi32> to vector<64x2048xf32>
    %add3A_295 = arith.addf %add3A_288, %convert_element_type3A_294 : vector<64x2048xf32>
    %slice3A_296 = vector.extract_strided_slice %get3A_10 {offsets = [0, 41], sizes = [64, 1], strides = [1, 1]} : vector<64x50xi32> to vector<64x1xi32>
    %eq3A_297 = vector.broadcast %slice3A_296 : vector<64x1xi32> to vector<64x2048xi32>
    %eq3A_298 = vector.broadcast %add3A_7 : vector<1x2048xi32> to vector<64x2048xi32>
    %eq3A_299 = arith.cmpi eq, %eq3A_297, %eq3A_298 : vector<64x2048xi32>
    %convert_element_type3A_300 = arith.extui %eq3A_299 : vector<64x2048xi1> to vector<64x2048xi32>
    %convert_element_type3A_301 = arith.sitofp %convert_element_type3A_300 : vector<64x2048xi32> to vector<64x2048xf32>
    %add3A_302 = arith.addf %add3A_295, %convert_element_type3A_301 : vector<64x2048xf32>
    %slice3A_303 = vector.extract_strided_slice %get3A_10 {offsets = [0, 42], sizes = [64, 1], strides = [1, 1]} : vector<64x50xi32> to vector<64x1xi32>
    %eq3A_304 = vector.broadcast %slice3A_303 : vector<64x1xi32> to vector<64x2048xi32>
    %eq3A_305 = vector.broadcast %add3A_7 : vector<1x2048xi32> to vector<64x2048xi32>
    %eq3A_306 = arith.cmpi eq, %eq3A_304, %eq3A_305 : vector<64x2048xi32>
    %convert_element_type3A_307 = arith.extui %eq3A_306 : vector<64x2048xi1> to vector<64x2048xi32>
    %convert_element_type3A_308 = arith.sitofp %convert_element_type3A_307 : vector<64x2048xi32> to vector<64x2048xf32>
    %add3A_309 = arith.addf %add3A_302, %convert_element_type3A_308 : vector<64x2048xf32>
    %slice3A_310 = vector.extract_strided_slice %get3A_10 {offsets = [0, 43], sizes = [64, 1], strides = [1, 1]} : vector<64x50xi32> to vector<64x1xi32>
    %eq3A_311 = vector.broadcast %slice3A_310 : vector<64x1xi32> to vector<64x2048xi32>
    %eq3A_312 = vector.broadcast %add3A_7 : vector<1x2048xi32> to vector<64x2048xi32>
    %eq3A_313 = arith.cmpi eq, %eq3A_311, %eq3A_312 : vector<64x2048xi32>
    %convert_element_type3A_314 = arith.extui %eq3A_313 : vector<64x2048xi1> to vector<64x2048xi32>
    %convert_element_type3A_315 = arith.sitofp %convert_element_type3A_314 : vector<64x2048xi32> to vector<64x2048xf32>
    %add3A_316 = arith.addf %add3A_309, %convert_element_type3A_315 : vector<64x2048xf32>
    %slice3A_317 = vector.extract_strided_slice %get3A_10 {offsets = [0, 44], sizes = [64, 1], strides = [1, 1]} : vector<64x50xi32> to vector<64x1xi32>
    %eq3A_318 = vector.broadcast %slice3A_317 : vector<64x1xi32> to vector<64x2048xi32>
    %eq3A_319 = vector.broadcast %add3A_7 : vector<1x2048xi32> to vector<64x2048xi32>
    %eq3A_320 = arith.cmpi eq, %eq3A_318, %eq3A_319 : vector<64x2048xi32>
    %convert_element_type3A_321 = arith.extui %eq3A_320 : vector<64x2048xi1> to vector<64x2048xi32>
    %convert_element_type3A_322 = arith.sitofp %convert_element_type3A_321 : vector<64x2048xi32> to vector<64x2048xf32>
    %add3A_323 = arith.addf %add3A_316, %convert_element_type3A_322 : vector<64x2048xf32>
    %slice3A_324 = vector.extract_strided_slice %get3A_10 {offsets = [0, 45], sizes = [64, 1], strides = [1, 1]} : vector<64x50xi32> to vector<64x1xi32>
    %eq3A_325 = vector.broadcast %slice3A_324 : vector<64x1xi32> to vector<64x2048xi32>
    %eq3A_326 = vector.broadcast %add3A_7 : vector<1x2048xi32> to vector<64x2048xi32>
    %eq3A_327 = arith.cmpi eq, %eq3A_325, %eq3A_326 : vector<64x2048xi32>
    %convert_element_type3A_328 = arith.extui %eq3A_327 : vector<64x2048xi1> to vector<64x2048xi32>
    %convert_element_type3A_329 = arith.sitofp %convert_element_type3A_328 : vector<64x2048xi32> to vector<64x2048xf32>
    %add3A_330 = arith.addf %add3A_323, %convert_element_type3A_329 : vector<64x2048xf32>
    %slice3A_331 = vector.extract_strided_slice %get3A_10 {offsets = [0, 46], sizes = [64, 1], strides = [1, 1]} : vector<64x50xi32> to vector<64x1xi32>
    %eq3A_332 = vector.broadcast %slice3A_331 : vector<64x1xi32> to vector<64x2048xi32>
    %eq3A_333 = vector.broadcast %add3A_7 : vector<1x2048xi32> to vector<64x2048xi32>
    %eq3A_334 = arith.cmpi eq, %eq3A_332, %eq3A_333 : vector<64x2048xi32>
    %convert_element_type3A_335 = arith.extui %eq3A_334 : vector<64x2048xi1> to vector<64x2048xi32>
    %convert_element_type3A_336 = arith.sitofp %convert_element_type3A_335 : vector<64x2048xi32> to vector<64x2048xf32>
    %add3A_337 = arith.addf %add3A_330, %convert_element_type3A_336 : vector<64x2048xf32>
    %slice3A_338 = vector.extract_strided_slice %get3A_10 {offsets = [0, 47], sizes = [64, 1], strides = [1, 1]} : vector<64x50xi32> to vector<64x1xi32>
    %eq3A_339 = vector.broadcast %slice3A_338 : vector<64x1xi32> to vector<64x2048xi32>
    %eq3A_340 = vector.broadcast %add3A_7 : vector<1x2048xi32> to vector<64x2048xi32>
    %eq3A_341 = arith.cmpi eq, %eq3A_339, %eq3A_340 : vector<64x2048xi32>
    %convert_element_type3A_342 = arith.extui %eq3A_341 : vector<64x2048xi1> to vector<64x2048xi32>
    %convert_element_type3A_343 = arith.sitofp %convert_element_type3A_342 : vector<64x2048xi32> to vector<64x2048xf32>
    %add3A_344 = arith.addf %add3A_337, %convert_element_type3A_343 : vector<64x2048xf32>
    %slice3A_345 = vector.extract_strided_slice %get3A_10 {offsets = [0, 48], sizes = [64, 1], strides = [1, 1]} : vector<64x50xi32> to vector<64x1xi32>
    %eq3A_346 = vector.broadcast %slice3A_345 : vector<64x1xi32> to vector<64x2048xi32>
    %eq3A_347 = vector.broadcast %add3A_7 : vector<1x2048xi32> to vector<64x2048xi32>
    %eq3A_348 = arith.cmpi eq, %eq3A_346, %eq3A_347 : vector<64x2048xi32>
    %convert_element_type3A_349 = arith.extui %eq3A_348 : vector<64x2048xi1> to vector<64x2048xi32>
    %convert_element_type3A_350 = arith.sitofp %convert_element_type3A_349 : vector<64x2048xi32> to vector<64x2048xf32>
    %add3A_351 = arith.addf %add3A_344, %convert_element_type3A_350 : vector<64x2048xf32>
    %slice3A_352 = vector.extract_strided_slice %get3A_10 {offsets = [0, 49], sizes = [64, 1], strides = [1, 1]} : vector<64x50xi32> to vector<64x1xi32>
    %eq3A_353 = vector.broadcast %slice3A_352 : vector<64x1xi32> to vector<64x2048xi32>
    %eq3A_354 = vector.broadcast %add3A_7 : vector<1x2048xi32> to vector<64x2048xi32>
    %eq3A_355 = arith.cmpi eq, %eq3A_353, %eq3A_354 : vector<64x2048xi32>
    %convert_element_type3A_356 = arith.extui %eq3A_355 : vector<64x2048xi1> to vector<64x2048xi32>
    %convert_element_type3A_357 = arith.sitofp %convert_element_type3A_356 : vector<64x2048xi32> to vector<64x2048xf32>
    %add3A_358 = arith.addf %add3A_351, %convert_element_type3A_357 : vector<64x2048xf32>
    %get3A_359 = arith.constant 0 : index
    %get3A_360 = arith.constant 0 : index
    %get3A_361 = vector.load %arg4[%get3A_359, %get3A_360] : memref<64x1xf32, #tpu.memory_space<vmem>>, vector<64x1xf32>
    %mul3A_362 = vector.broadcast %get3A_361 : vector<64x1xf32> to vector<64x2048xf32>
    %mul3A_363 = arith.mulf %mul3A_362, %add3A_358 : vector<64x2048xf32>
    %sub3A = arith.subf %dot_general3A_5, %mul3A_363 : vector<64x2048xf32>
    %get3A_364 = arith.constant 0 : index
    %get3A_365 = arith.constant 0 : index
    %get3A_366 = vector.load %arg5[%get3A_364, %get3A_365] : memref<64x1xf32, #tpu.memory_space<vmem>>, vector<64x1xf32>
    %gt3A = arith.constant 0.000000e+00 : f32
    %gt3A_367 = vector.broadcast %gt3A : f32 to vector<64x2048xf32>
    %gt3A_368 = arith.cmpf ogt, %add3A_358, %gt3A_367 : vector<64x2048xf32>
    %convert_element_type3A_369 = arith.extui %gt3A_368 : vector<64x2048xi1> to vector<64x2048xi32>
    %convert_element_type3A_370 = arith.sitofp %convert_element_type3A_369 : vector<64x2048xi32> to vector<64x2048xf32>
    %mul3A_371 = vector.broadcast %get3A_366 : vector<64x1xf32> to vector<64x2048xf32>
    %mul3A_372 = arith.mulf %mul3A_371, %convert_element_type3A_370 : vector<64x2048xf32>
    %sub3A_373 = arith.subf %sub3A, %mul3A_372 : vector<64x2048xf32>
    %get3A_374 = arith.constant 0 : index
    %get3A_375 = arith.constant 0 : index
    %get3A_376 = vector.load %arg6[%get3A_374, %get3A_375] : memref<64x1xf32, #tpu.memory_space<vmem>>, vector<64x1xf32>
    %max3A = arith.constant 1.000000e-03 : f32
    %max3A_377 = vector.broadcast %max3A : f32 to vector<64x1xf32>
    %max3A_378 = arith.maximumf %get3A_376, %max3A_377 : vector<64x1xf32>
    %div3A = vector.broadcast %max3A_378 : vector<64x1xf32> to vector<64x2048xf32>
    %div3A_379 = arith.divf %sub3A_373, %div3A : vector<64x2048xf32>
    %swap3A = arith.constant 0 : index
    %swap3A_380 = arith.constant 0 : index
    %swap3A_381 = vector.load %arg7[%swap3A, %swap3A_380] : memref<64x2048xf32, #tpu.memory_space<vmem>>, vector<64x2048xf32>
    tpu.vector_store %arg7[%swap3A, %swap3A_380], %div3A_379 {strides = array<i32>} : memref<64x2048xf32, #tpu.memory_space<vmem>>, vector<64x2048xf32>,
    return
  }
  func.func @transform_0(%arg0: i32) -> (i32, i32) {
    %c0_i32 = arith.constant 0 : i32
    %c0_i32_0 = arith.constant 0 : i32
    %c0_i32_1 = arith.constant 0 : i32
    return %c0_i32, %c0_i32_0 : i32, i32
  }
  func.func @transform_1(%arg0: i32) -> (i32, i32) {
    %c0_i32 = arith.constant 0 : i32
    %c0_i32_0 = arith.constant 0 : i32
    return %arg0, %c0_i32 : i32, i32
  }
  func.func @transform_2(%arg0: i32) -> (i32, i32) {
    %c0_i32 = arith.constant 0 : i32
    %c0_i32_0 = arith.constant 0 : i32
    %c0_i32_1 = arith.constant 0 : i32
    return %c0_i32, %c0_i32_0 : i32, i32
  }
  func.func @transform_3(%arg0: i32) -> (i32, i32) {
    %c0_i32 = arith.constant 0 : i32
    %c0_i32_0 = arith.constant 0 : i32
    %c0_i32_1 = arith.constant 0 : i32
    return %c0_i32, %c0_i32_0 : i32, i32
  }
  func.func @transform_4(%arg0: i32) -> (i32, i32) {
    %c0_i32 = arith.constant 0 : i32
    %c0_i32_0 = arith.constant 0 : i32
    %c0_i32_1 = arith.constant 0 : i32
    return %c0_i32, %c0_i32_0 : i32, i32
  }
  func.func @transform_5(%arg0: i32) -> (i32, i32) {
    %c0_i32 = arith.constant 0 : i32
    %c0_i32_0 = arith.constant 0 : i32
    %c0_i32_1 = arith.constant 0 : i32
    return %c0_i32, %c0_i32_0 : i32, i32
  }
  func.func @transform_6(%arg0: i32) -> (i32, i32) {
    %c0_i32 = arith.constant 0 : i32
    %c0_i32_0 = arith.constant 0 : i32
    return %c0_i32, %arg0 : i32, i32
  }
}

module attributes {stable_mosaic.version = 14 : i64} {
  func.func @_blockmax_kernel(%arg0: i32, %arg1: memref<64x2048xf32, #tpu.memory_space<vmem>>, %arg2: memref<64x49xf32, #tpu.memory_space<vmem>>) attributes {dimension_semantics = [#tpu.dimension_semantics<arbitrary>], iteration_bounds = array<i64: 49>, scalar_prefetch = 0 : i64, scratch_operands = 0 : i64, tpu.core_type = #tpu.core_type<tc>, window_params = [{transform_indices = @transform_0, window_bounds = array<i64: 64, 2048>}, {pipeline_mode = #tpu.pipeline_mode<synchronous>, transform_indices = @transform_1, window_bounds = array<i64: 64, 49>}]} {
    %mul3A = arith.constant 2048 : i32
    %mul3A_0 = arith.muli %arg0, %mul3A : i32
    %iota3A = tpu.iota {dimensions = array<i32: 1>} : vector<1x2048xi32>
    %add3A = vector.broadcast %mul3A_0 : i32 to vector<1x2048xi32>
    %add3A_1 = arith.addi %add3A, %iota3A : vector<1x2048xi32>
    %lt3A = arith.constant 100000 : i32
    %lt3A_2 = vector.broadcast %lt3A : i32 to vector<1x2048xi32>
    %lt3A_3 = arith.cmpi slt, %add3A_1, %lt3A_2 : vector<1x2048xi32>
    %get3A = arith.constant 0 : index
    %get3A_4 = arith.constant 0 : index
    %get3A_5 = vector.load %arg1[%get3A, %get3A_4] : memref<64x2048xf32, #tpu.memory_space<vmem>>, vector<64x2048xf32>
    %jit3A = arith.constant -1.000000e+30 : f32
    %broadcast_in_dim3A = vector.shape_cast %lt3A_3 : vector<1x2048xi1> to vector<1x2048xi1>
    %broadcast_in_dim3A_6 = vector.broadcast %broadcast_in_dim3A : vector<1x2048xi1> to vector<64x2048xi1>
    %broadcast_in_dim3A_7 = vector.broadcast %jit3A : f32 to vector<64x2048xf32>
    %select_n3A = arith.select %broadcast_in_dim3A_6, %get3A_5, %broadcast_in_dim3A_7 : vector<64x2048xi1>, vector<64x2048xf32>
    %reduce_max3A = arith.constant dense<0xFF800000> : vector<64xf32>
    %reduce_max3A_8 = vector.multi_reduction <maximumf>, %select_n3A, %reduce_max3A [1] : vector<64x2048xf32> to vector<64xf32>
    %broadcast_in_dim3A_9 = vector.shape_cast %reduce_max3A_8 : vector<64xf32> to vector<64x1xf32>
    %iota3A_10 = tpu.iota {dimensions = array<i32: 1>} : vector<64x49xi32>
    %eq3A = arith.constant 0 : i32
    %eq3A_11 = arith.cmpi eq, %arg0, %eq3A : i32
    %convert_element_type3A = arith.extui %eq3A_11 : i1 to i32
    %cond3A = arith.constant 0 : i32
    %cond3A_12 = arith.cmpi ne, %convert_element_type3A, %cond3A : i32
    scf.if %cond3A_12 {
      %broadcast_in_dim3A_23 = arith.constant -1.000000e+30 : f32
      %broadcast_in_dim3A_24 = vector.broadcast %broadcast_in_dim3A_23 : f32 to vector<64x49xf32>
      %swap3A_25 = arith.constant 0 : index
      %swap3A_26 = arith.constant 0 : index
      %swap3A_27 = vector.load %arg2[%swap3A_25, %swap3A_26] : memref<64x49xf32, #tpu.memory_space<vmem>>, vector<64x49xf32>
      tpu.vector_store %arg2[%swap3A_25, %swap3A_26], %broadcast_in_dim3A_24 {strides = array<i32>} : memref<64x49xf32, #tpu.memory_space<vmem>>, vector<64x49xf32>,
    } else {
    }
    %eq3A_13 = vector.broadcast %arg0 : i32 to vector<64x49xi32>
    %eq3A_14 = arith.cmpi eq, %iota3A_10, %eq3A_13 : vector<64x49xi32>
    %get3A_15 = arith.constant 0 : index
    %get3A_16 = arith.constant 0 : index
    %get3A_17 = vector.load %arg2[%get3A_15, %get3A_16] : memref<64x49xf32, #tpu.memory_space<vmem>>, vector<64x49xf32>
    %broadcast_in_dim3A_18 = vector.shape_cast %broadcast_in_dim3A_9 : vector<64x1xf32> to vector<64x1xf32>
    %broadcast_in_dim3A_19 = vector.broadcast %broadcast_in_dim3A_18 : vector<64x1xf32> to vector<64x49xf32>
    %select_n3A_20 = arith.select %eq3A_14, %broadcast_in_dim3A_19, %get3A_17 : vector<64x49xi1>, vector<64x49xf32>
    %swap3A = arith.constant 0 : index
    %swap3A_21 = arith.constant 0 : index
    %swap3A_22 = vector.load %arg2[%swap3A, %swap3A_21] : memref<64x49xf32, #tpu.memory_space<vmem>>, vector<64x49xf32>
    tpu.vector_store %arg2[%swap3A, %swap3A_21], %select_n3A_20 {strides = array<i32>} : memref<64x49xf32, #tpu.memory_space<vmem>>, vector<64x49xf32>,
    return
  }
  func.func @transform_0(%arg0: i32) -> (i32, i32) {
    %c0_i32 = arith.constant 0 : i32
    %c0_i32_0 = arith.constant 0 : i32
    return %c0_i32, %arg0 : i32, i32
  }
  func.func @transform_1(%arg0: i32) -> (i32, i32) {
    %c0_i32 = arith.constant 0 : i32
    %c0_i32_0 = arith.constant 0 : i32
    %c0_i32_1 = arith.constant 0 : i32
    return %c0_i32, %c0_i32_0 : i32, i32
  }
}

module attributes {stable_mosaic.version = 14 : i64} {
  func.func @_blocksum_kernel(%arg0: i32, %arg1: memref<64x2048xf32, #tpu.memory_space<vmem>>, %arg2: memref<64x1xf32, #tpu.memory_space<vmem>>, %arg3: memref<64x49xf32, #tpu.memory_space<vmem>>) attributes {dimension_semantics = [#tpu.dimension_semantics<arbitrary>], iteration_bounds = array<i64: 49>, scalar_prefetch = 0 : i64, scratch_operands = 0 : i64, tpu.core_type = #tpu.core_type<tc>, window_params = [{transform_indices = @transform_0, window_bounds = array<i64: 64, 2048>}, {pipeline_mode = #tpu.pipeline_mode<synchronous>, transform_indices = @transform_1, window_bounds = array<i64: 64, 1>}, {pipeline_mode = #tpu.pipeline_mode<synchronous>, transform_indices = @transform_2, window_bounds = array<i64: 64, 49>}]} {
    %mul3A = arith.constant 2048 : i32
    %mul3A_0 = arith.muli %arg0, %mul3A : i32
    %iota3A = tpu.iota {dimensions = array<i32: 1>} : vector<1x2048xi32>
    %add3A = vector.broadcast %mul3A_0 : i32 to vector<1x2048xi32>
    %add3A_1 = arith.addi %add3A, %iota3A : vector<1x2048xi32>
    %lt3A = arith.constant 100000 : i32
    %lt3A_2 = vector.broadcast %lt3A : i32 to vector<1x2048xi32>
    %lt3A_3 = arith.cmpi slt, %add3A_1, %lt3A_2 : vector<1x2048xi32>
    %get3A = arith.constant 0 : index
    %get3A_4 = arith.constant 0 : index
    %get3A_5 = vector.load %arg1[%get3A, %get3A_4] : memref<64x2048xf32, #tpu.memory_space<vmem>>, vector<64x2048xf32>
    %jit3A = arith.constant 0xFF800000 : f32
    %broadcast_in_dim3A = vector.shape_cast %lt3A_3 : vector<1x2048xi1> to vector<1x2048xi1>
    %broadcast_in_dim3A_6 = vector.broadcast %broadcast_in_dim3A : vector<1x2048xi1> to vector<64x2048xi1>
    %broadcast_in_dim3A_7 = vector.broadcast %jit3A : f32 to vector<64x2048xf32>
    %select_n3A = arith.select %broadcast_in_dim3A_6, %get3A_5, %broadcast_in_dim3A_7 : vector<64x2048xi1>, vector<64x2048xf32>
    %get3A_8 = arith.constant 0 : index
    %get3A_9 = arith.constant 0 : index
    %get3A_10 = vector.load %arg2[%get3A_8, %get3A_9] : memref<64x1xf32, #tpu.memory_space<vmem>>, vector<64x1xf32>
    %sub3A = vector.broadcast %get3A_10 : vector<64x1xf32> to vector<64x2048xf32>
    %sub3A_11 = arith.subf %select_n3A, %sub3A : vector<64x2048xf32>
    %exp3A = math.exp %sub3A_11 : vector<64x2048xf32>
    %reduce_sum3A = arith.constant dense<0.000000e+00> : vector<64xf32>
    %reduce_sum3A_12 = vector.multi_reduction <add>, %exp3A, %reduce_sum3A [1] : vector<64x2048xf32> to vector<64xf32>
    %broadcast_in_dim3A_13 = vector.shape_cast %reduce_sum3A_12 : vector<64xf32> to vector<64x1xf32>
    %iota3A_14 = tpu.iota {dimensions = array<i32: 1>} : vector<64x49xi32>
    %eq3A = arith.constant 0 : i32
    %eq3A_15 = arith.cmpi eq, %arg0, %eq3A : i32
    %convert_element_type3A = arith.extui %eq3A_15 : i1 to i32
    %cond3A = arith.constant 0 : i32
    %cond3A_16 = arith.cmpi ne, %convert_element_type3A, %cond3A : i32
    scf.if %cond3A_16 {
      %broadcast_in_dim3A_27 = arith.constant 0.000000e+00 : f32
      %broadcast_in_dim3A_28 = vector.broadcast %broadcast_in_dim3A_27 : f32 to vector<64x49xf32>
      %swap3A_29 = arith.constant 0 : index
      %swap3A_30 = arith.constant 0 : index
      %swap3A_31 = vector.load %arg3[%swap3A_29, %swap3A_30] : memref<64x49xf32, #tpu.memory_space<vmem>>, vector<64x49xf32>
      tpu.vector_store %arg3[%swap3A_29, %swap3A_30], %broadcast_in_dim3A_28 {strides = array<i32>} : memref<64x49xf32, #tpu.memory_space<vmem>>, vector<64x49xf32>,
    } else {
    }
    %eq3A_17 = vector.broadcast %arg0 : i32 to vector<64x49xi32>
    %eq3A_18 = arith.cmpi eq, %iota3A_14, %eq3A_17 : vector<64x49xi32>
    %get3A_19 = arith.constant 0 : index
    %get3A_20 = arith.constant 0 : index
    %get3A_21 = vector.load %arg3[%get3A_19, %get3A_20] : memref<64x49xf32, #tpu.memory_space<vmem>>, vector<64x49xf32>
    %broadcast_in_dim3A_22 = vector.shape_cast %broadcast_in_dim3A_13 : vector<64x1xf32> to vector<64x1xf32>
    %broadcast_in_dim3A_23 = vector.broadcast %broadcast_in_dim3A_22 : vector<64x1xf32> to vector<64x49xf32>
    %select_n3A_24 = arith.select %eq3A_18, %broadcast_in_dim3A_23, %get3A_21 : vector<64x49xi1>, vector<64x49xf32>
    %swap3A = arith.constant 0 : index
    %swap3A_25 = arith.constant 0 : index
    %swap3A_26 = vector.load %arg3[%swap3A, %swap3A_25] : memref<64x49xf32, #tpu.memory_space<vmem>>, vector<64x49xf32>
    tpu.vector_store %arg3[%swap3A, %swap3A_25], %select_n3A_24 {strides = array<i32>} : memref<64x49xf32, #tpu.memory_space<vmem>>, vector<64x49xf32>,
    return
  }
  func.func @transform_0(%arg0: i32) -> (i32, i32) {
    %c0_i32 = arith.constant 0 : i32
    %c0_i32_0 = arith.constant 0 : i32
    return %c0_i32, %arg0 : i32, i32
  }
  func.func @transform_1(%arg0: i32) -> (i32, i32) {
    %c0_i32 = arith.constant 0 : i32
    %c0_i32_0 = arith.constant 0 : i32
    %c0_i32_1 = arith.constant 0 : i32
    return %c0_i32, %c0_i32_0 : i32, i32
  }
  func.func @transform_2(%arg0: i32) -> (i32, i32) {
    %c0_i32 = arith.constant 0 : i32
    %c0_i32_0 = arith.constant 0 : i32
    %c0_i32_1 = arith.constant 0 : i32
    return %c0_i32, %c0_i32_0 : i32, i32
  }
}

module attributes {stable_mosaic.version = 14 : i64} {
  func.func @_probs_kernel(%arg0: i32, %arg1: memref<64x2048xf32, #tpu.memory_space<vmem>>, %arg2: memref<64x1xf32, #tpu.memory_space<vmem>>, %arg3: memref<64x1xf32, #tpu.memory_space<vmem>>, %arg4: memref<64x2048xf32, #tpu.memory_space<vmem>>, %arg5: memref<64x2048xf32, #tpu.memory_space<vmem>>) attributes {dimension_semantics = [#tpu.dimension_semantics<arbitrary>], iteration_bounds = array<i64: 49>, scalar_prefetch = 0 : i64, scratch_operands = 0 : i64, tpu.core_type = #tpu.core_type<tc>, window_params = [{transform_indices = @transform_0, window_bounds = array<i64: 64, 2048>}, {pipeline_mode = #tpu.pipeline_mode<synchronous>, transform_indices = @transform_1, window_bounds = array<i64: 64, 1>}, {pipeline_mode = #tpu.pipeline_mode<synchronous>, transform_indices = @transform_2, window_bounds = array<i64: 64, 1>}, {transform_indices = @transform_3, window_bounds = array<i64: 64, 2048>}, {transform_indices = @transform_4, window_bounds = array<i64: 64, 2048>}]} {
    %get3A = arith.constant 0 : index
    %get3A_0 = arith.constant 0 : index
    %get3A_1 = vector.load %arg1[%get3A, %get3A_0] : memref<64x2048xf32, #tpu.memory_space<vmem>>, vector<64x2048xf32>
    %get3A_2 = arith.constant 0 : index
    %get3A_3 = arith.constant 0 : index
    %get3A_4 = vector.load %arg2[%get3A_2, %get3A_3] : memref<64x1xf32, #tpu.memory_space<vmem>>, vector<64x1xf32>
    %sub3A = vector.broadcast %get3A_4 : vector<64x1xf32> to vector<64x2048xf32>
    %sub3A_5 = arith.subf %get3A_1, %sub3A : vector<64x2048xf32>
    %get3A_6 = arith.constant 0 : index
    %get3A_7 = arith.constant 0 : index
    %get3A_8 = vector.load %arg3[%get3A_6, %get3A_7] : memref<64x1xf32, #tpu.memory_space<vmem>>, vector<64x1xf32>
    %sub3A_9 = vector.broadcast %get3A_8 : vector<64x1xf32> to vector<64x2048xf32>
    %sub3A_10 = arith.subf %sub3A_5, %sub3A_9 : vector<64x2048xf32>
    %exp3A = math.exp %sub3A_10 : vector<64x2048xf32>
    %swap3A = arith.constant 0 : index
    %swap3A_11 = arith.constant 0 : index
    %swap3A_12 = vector.load %arg4[%swap3A, %swap3A_11] : memref<64x2048xf32, #tpu.memory_space<vmem>>, vector<64x2048xf32>
    tpu.vector_store %arg4[%swap3A, %swap3A_11], %exp3A {strides = array<i32>} : memref<64x2048xf32, #tpu.memory_space<vmem>>, vector<64x2048xf32>,
    %swap3A_13 = arith.constant 0 : index
    %swap3A_14 = arith.constant 0 : index
    %swap3A_15 = vector.load %arg5[%swap3A_13, %swap3A_14] : memref<64x2048xf32, #tpu.memory_space<vmem>>, vector<64x2048xf32>
    tpu.vector_store %arg5[%swap3A_13, %swap3A_14], %sub3A_10 {strides = array<i32>} : memref<64x2048xf32, #tpu.memory_space<vmem>>, vector<64x2048xf32>,
    return
  }
  func.func @transform_0(%arg0: i32) -> (i32, i32) {
    %c0_i32 = arith.constant 0 : i32
    %c0_i32_0 = arith.constant 0 : i32
    return %c0_i32, %arg0 : i32, i32
  }
  func.func @transform_1(%arg0: i32) -> (i32, i32) {
    %c0_i32 = arith.constant 0 : i32
    %c0_i32_0 = arith.constant 0 : i32
    %c0_i32_1 = arith.constant 0 : i32
    return %c0_i32, %c0_i32_0 : i32, i32
  }
  func.func @transform_2(%arg0: i32) -> (i32, i32) {
    %c0_i32 = arith.constant 0 : i32
    %c0_i32_0 = arith.constant 0 : i32
    %c0_i32_1 = arith.constant 0 : i32
    return %c0_i32, %c0_i32_0 : i32, i32
  }
  func.func @transform_3(%arg0: i32) -> (i32, i32) {
    %c0_i32 = arith.constant 0 : i32
    %c0_i32_0 = arith.constant 0 : i32
    return %c0_i32, %arg0 : i32, i32
  }
  func.func @transform_4(%arg0: i32) -> (i32, i32) {
    %c0_i32 = arith.constant 0 : i32
    %c0_i32_0 = arith.constant 0 : i32
    return %c0_i32, %arg0 : i32, i32
  }
}

</mosaic_0001>

<sc_bundles>
// kernel: gather_offload_async_start.1
scs
__scs_entry_jumppad:
0x0: {  	(pc) =	sbr.rel $0x88, $3  }
0x1: {  	(tag) =	ssettag $0x0;
	lr =	simm.s32 $0x1  }
0x2: {  	[smem:$0x3F98] =	sst lr;
	_ =	strace $0xD0000000  }
0x3: {  	_ = 	snop  }
0x4: {  	_ = 	snop  }
0x5: {  	_ = 	snop  }
0x6: {  	_ = 	snop  }
0x7: {  	_ = 	snop  }
__scs_overlays_trampoline_lowered:
0x8: {  	[smem:$0x3FA7] =	sst s0  }
0x9: {  	[smem:$0x3FA8] =	sst s1  }
0xa: {  	[smem:$0x3FA9] =	sst s2  }
0xb: {  	[smem:$0x3FAA] =	sst s3  }
0xc: {  	[smem:$0x3FAB] =	sst s4  }
0xd: {  	[smem:$0x3FAC] =	sst s5  }
0xe: {  	[smem:$0x3FAD] =	sst s6  }
0xf: {  	[smem:$0x3FAE] =	sst s7  }
0x10: {  	[smem:$0x3FAF] =	sst s8  }
0x11: {  	[smem:$0x3FB0] =	sst s9;
	s0 =	simm.s32 @!p0 $0x0  }
0x12: {  	s1 =	sld [smem:$0x3F96];
	s0 =	simm.s32 @p0 $0x1  }
0x13: {  	[smem:$0x3FB1] =	sst s0;
	s0 =	simm.s32 @!p1 $0x0  }
0x14: {  	s2 =	sld [smem:$0x3F95];
	s0 =	simm.s32 @p1 $0x1  }
0x15: {  	[smem:$0x3FB2] =	sst s0;
	s0 =	simm.s32 @!p2 $0x0  }
0x16: {  	s3 =	sld [smem:$0x3FDB];
	s0 =	simm.s32 @p2 $0x1  }
0x17: {  	s4 =	simm.s32 $0x1BF5;
	[smem:$0x3FB4] =	sst s0  }
0x18: {  	s0 =	sld [smem:$0x3F97];
	_ =	swait.ge [sflag:s4], $0x0  }
0x19: {  	s7 =	sld [smem:$0x3F98]  }
0x1a: {  	s8 =	sadd.s32 $0xFFFFE003, lr  }
0x1b: {  	s9 =	sadd.s32 $0xFFFFFEF7, lr;
	s5 =	simm.s32 $0xFFFFFFFF;
	p2 =	slt.u32 s8, $0xFFFFF086  }
0x1c: {  	p1 =	slt.u32 s9, $0xF7A;
	s5 =	simm.s32 @!p2 $0x0  }
0x1d: {  	s5 =	simm.s32 @p1 $0x1;
	p0 =	seq.s32 s7, s2  }
0x1e: {  	s7 =	smul.u32 @!p0 $0xF7A, s2;
	p2 =	seq.s32 @!p0 s5, $0x0  }
0x1f: {  	s9 =	smul.u32 $0xF7A, s1;
	s8 =	simm.s32 @!p0 $0x1BF5;
	p2 =	por !p2, p0  }
0x20: {  	[sflag:s8] =	ssyncset.s32 @!p0 $0xFFFFF086;
	s6 =	sadd.s32 @!p0 s3, s7;
	s7 =	simm.s32 @!p0 $0x108  }
0x21: {  	s3 =	sadd.s32 s3, s9;
	s6 =	sadd.s32 @!p0 $0x88, s6;
	s7 =	simm.s32 @p2 $0x1082  }
0x22: {  	[simem:s7], [sflag:s8] =	dma.local @!p0 [hbm:s6], $0xF7A  }
0x23: {  	s9 =	sor.u32 $0xD0000000, s2;
	s6 =	simm.s32 $0x108;
	_ =	swait.ge @!p0 [sflag:s8], $0x0  }
0x24: {  	s3 =	sadd.s32 $0x88, s3;
	s6 =	simm.s32 @!p1 $0x1082;
	[sflag:s4] =	ssyncset.s32 $0xFFFFF086  }
0x25: {  	[simem:s6], [sflag:s4] =	dma.local [hbm:s3], $0xF7A  }
0x26: {  	[smem:$0x3F98] =	sst s1;
	(tag) =	ssettag s2;
	_ =	strace s9  }
0x27: {  	s1 =	sld [smem:$0x3FA8]  }
0x28: {  	s2 =	sld [smem:$0x3FA9]  }
0x29: {  	s4 =	sld [smem:$0x3FAB]  }
0x2a: {  	p0 =	seq.s32 s5, $0x0;
	s5 =	sld [smem:$0x3FAC]  }
0x2b: {  	s6 =	sld [smem:$0x3FAD]  }
0x2c: {  	s7 =	sld [smem:$0x3FAE]  }
0x2d: {  	s3 =	simm.s32 $0x108;
	s8 =	sld [smem:$0x3FAF]  }
0x2e: {  	s3 =	simm.s32 @!p0 $0x1082;
	s9 =	sld [smem:$0x3FB0]  }
0x2f: {  	lr =	sadd.s32 s0, s3;
	s0 =	sld [smem:$0x3FA7]  }
0x30: {  	s3 =	sld [smem:$0x3FAA]  }
0x31: {  	[smem:$0x3FB3] =	sst s10  }
0x32: {  	s10 =	sld [smem:$0x3FB1];
	_ =	sdelay $0x3  }
0x33: {  	p0 =	seq.s32 s10, $0x1;
	s10 =	sld [smem:$0x3FB3];
	_ =	sdelay $0x3  }
0x34: {  	[smem:$0x3FB3] =	sst s10  }
0x35: {  	s10 =	sld [smem:$0x3FB2];
	_ =	sdelay $0x3  }
0x36: {  	p1 =	seq.s32 s10, $0x1;
	s10 =	sld [smem:$0x3FB3];
	_ =	sdelay $0x3  }
0x37: {  	[smem:$0x3FB3] =	sst s10  }
0x38: {  	s10 =	sld [smem:$0x3FB4]  }
0x39: {  	_ = 	snop;
	(pc) =	sbr.ind lr, $3  }
0x3a: {  	_ = 	snop  }
0x3b: {  	_ = 	snop  }
0x3c: {  	p2 =	seq.s32 s10, $0x1;
	s10 =	sld [smem:$0x3FB3]  }
0x3d: {  	_ =	shalt  }
0x3e: {  	_ =	shalt  }
0x3f: {  	_ =	shalt  }
0x40: {  	_ =	shalt  }
0x41: {  	_ =	shalt  }
0x42: {  	_ =	shalt  }
0x43: {  	_ =	shalt  }
0x44: {  	_ =	shalt  }
0x45: {  	_ =	shalt  }
0x46: {  	_ =	shalt  }
0x47: {  	_ =	shalt  }
0x48: {  	_ =	shalt  }
0x49: {  	_ =	shalt  }
0x4a: {  	_ =	shalt  }
0x4b: {  	_ =	shalt  }
0x4c: {  	_ =	shalt  }
0x4d: {  	_ =	shalt  }
0x4e: {  	_ =	shalt  }
0x4f: {  	_ =	shalt  }
0x50: {  	_ =	shalt  }
0x51: {  	_ =	shalt  }
0x52: {  	_ =	shalt  }
0x53: {  	_ =	shalt  }
0x54: {  	_ =	shalt  }
0x55: {  	_ =	shalt  }
0x56: {  	_ =	shalt  }
0x57: {  	_ =	shalt  }
0x58: {  	_ =	shalt  }
0x59: {  	_ =	shalt  }
0x5a: {  	_ =	shalt  }
0x5b: {  	_ =	shalt  }
0x5c: {  	_ =	shalt  }
0x5d: {  	_ =	shalt  }
0x5e: {  	_ =	shalt  }
0x5f: {  	_ =	shalt  }
0x60: {  	_ =	shalt  }
0x61: {  	_ =	shalt  }
0x62: {  	_ =	shalt  }
0x63: {  	_ =	shalt  }
0x64: {  	_ =	shalt  }
0x65: {  	_ =	shalt  }
0x66: {  	_ =	shalt  }
0x67: {  	_ =	shalt  }
0x68: {  	_ =	shalt  }
0x69: {  	_ =	shalt  }
0x6a: {  	_ =	shalt  }
0x6b: {  	_ =	shalt  }
0x6c: {  	_ =	shalt  }
0x6d: {  	_ =	shalt  }
0x6e: {  	_ =	shalt  }
0x6f: {  	_ =	shalt  }
0x70: {  	_ =	shalt  }
0x71: {  	_ =	shalt  }
0x72: {  	_ =	shalt  }
0x73: {  	_ =	shalt  }
0x74: {  	_ =	shalt  }
0x75: {  	_ =	shalt  }
0x76: {  	_ =	shalt  }
0x77: {  	_ =	shalt  }
0x78: {  	_ =	shalt  }
0x79: {  	_ =	shalt  }
0x7a: {  	_ =	shalt  }
0x7b: {  	_ =	shalt  }
0x7c: {  	_ =	shalt  }
0x7d: {  	_ =	shalt  }
0x7e: {  	_ =	shalt  }
0x7f: {  	_ =	shalt  }
0x80: {  	_ =	shalt  }
0x81: {  	_ =	shalt  }
0x82: {  	_ =	shalt  }
0x83: {  	_ =	shalt  }
0x84: {  	_ =	shalt  }
0x85: {  	_ =	shalt  }
0x86: {  	_ =	shalt  }
0x87: {  	_ =	shalt  }
.Lfunc_end0:
.L_simem_size_0:
called_computation.1_lowered:
.L_overlay_start_0:
0x88: {  	s2 =	sld [smem:$0x3FD9]  }
0x89: {  	s3 =	sld [smem:$0x3FFE];
	_ =	sdelay $0x1  }
0x8a: {  	s1 =	srdreg.scid  }
0x8b: {  	s0 =	sand.u32 $0x1, s1  }
0x8c: {  	s14 =	sshll.u32 s0, $0xA;
	s2 =	sadd.s32 s3, s2  }
0x8d: {  	s2 =	sadd.s32 s2, s14  }
0x8e: {  	[smem:$0x3FBF] =	sst s2  }
0x8f: {  	_ = 	snop  }
0x90: {  	s2 =	sld [smem:$0x3FD0];
	_ =	sdelay $0x2  }
0x91: {  	s15 =	simm.s32 $0xA;
	s4 =	simm.s32 $0x10  }
0x92: {  	[smem:s4], [sflag:s15] =	dma.local [hbm:s2], $0x1  }
0x93: {  	_ =	swait.eq [sflag:s15], $0x1  }
0x94: {  	[sflag:s15] =	ssyncset.done $0x0  }
0x95: {  	[sflag:s15] =	ssyncadd.s32 $0xFFFFFFFF  }
0x96: {  	s16 =	sld [smem:$0x11];
	(tm) =	ssettm $0x1  }
0x97: {  	s17 =	sld [smem:$0x3FFB];
	_ =	sdelay $0x3  }
0x98: {  	_ =	strace s17  }
0x99: {  	s3 =	sld [smem:$0x3FFC];
	_ =	sdelay $0x3  }
0x9a: {  	_ =	strace s3  }
0x9b: {  	s3 =	sld [smem:$0x3FFD];
	_ =	sdelay $0x3  }
0x9c: {  	_ =	strace s3  }
0x9d: {  	_ =	strace $0x8FFFFFFF  }
0x9e: {  	s18 =	sld [smem:$0x3FDB];
	_ =	sdelay $0x1  }
0x9f: {  	s19 =	simm.s32 $_scs_section_size  }
0xa0: {  	s5 =	simm.s32 $_size__tile_overlayer_lowered;
	s6 =	simm.s32 $_tile_overlayer_lowered  }
0xa1: {  	s22 =	simm.s32 $0x1BFF;
	s21 =	sshll.u32 s6, $0x1;
	s3 =	sadd.s32 s19, s18  }
0xa2: {  	s7 =	simm.s32 $0x0;
	s20 =	sshll.u32 s5, $0x1;
	s5 =	sadd.s32 s21, s3  }
0xa3: {  	[timem:s7], [sflag:s22] =	dma.local [hbm:s5], s20  }
0xa4: {  	_ =	swait.ge [sflag:s22], s20  }
0xa5: {  	s4 =	ssub.s32 $0x0, s20;
	[sflag:s22] =	ssyncset.done $0x0  }
0xa6: {  	[sflag:s22] =	ssyncadd.s32 s4;
	_ =	sdelay $0x1  }
0xa7: {  	s23 =	simm.s32 $0x1B8B  }
0xa8: {  	_ =	swait.ge [sflag:s23], $0x1  }
0xa9: {  	[sflag:s23] =	ssyncset.done $0x0  }
0xaa: {  	s25 =	simm.s32 $0x1B8E;
	s24 =	sld [smem:$0x3FFE];
	[sflag:s23] =	ssyncadd.s32 $0xFFFFFFFF  }
0xab: {  	s26 =	simm.s32 $execute0_lowered;
	[smem:$0x3FD2] =	sst s25  }
0xac: {  	s5 =	sshll.u32 s26, $0x1;
	_ =	strace $0x80000049;
	[dreg:$0x1] =	wrdreg $0xFFFFFFFF  }
0xad: {  	s28 =	simm.s32 $_size_execute0_lowered;
	s3 =	sadd.s32 s3, s5;
	[dreg:$0x0] =	wrdreg $0x0  }
0xae: {  	s5 =	sshll.u32 s28, $0x1;
	[dreg:$0x2] =	wrdreg s3  }
0xaf: {  	[dreg:$0x3] =	wrdreg s5  }
0xb0: {  	[dreg:$0x4] =	wrdreg $0xC0  }
0xb1: {  	_ =	task [dreg:s7], $0x5FFFF  }
0xb2: {  	[dreg:$0x1] =	wrdreg $0xFFFFFFFF  }
0xb3: {  	[dreg:$0x0] =	wrdreg $0x60  }
0xb4: {  	[dreg:$0x2] =	wrdreg s16  }
0xb5: {  	[dreg:$0x3] =	wrdreg s24  }
0xb6: {  	[dreg:$0x4] =	wrdreg $0x9  }
0xb7: {  	_ =	task.clear_ibuf [dreg:s7], $0x5FFFF;
	_ =	strace $0x90000049  }
0xb8: {  	s29 =	simm.s32 $0x9;
	_ =	strace $0x8000004B  }
0xb9: {  	_ =	swait.ge [sflag:s29], $0x1  }
0xba: {  	[sflag:s29] =	ssyncadd.s32 $0xFFFFFFFF  }
0xbb: {  	_ =	strace $0x9000004B  }
0xbc: {  	_ =	sfence  }
0xbd: {  	s30 =	sld [smem:$0x0];
	_ =	sdelay $0x2  }
0xbe: {  	s31 =	sshll.u32 s1, $0xD;
	s1 =	sshrl.u32 s1, $0x2  }
0xbf: {  	s3 =	sand.u32 $0x4000, s31;
	s1 =	sadd.s32 s1, s30  }
0xc0: {  	s0 =	sor.u32 s3, s0;
	s1 =	sshll.u32 s1, $0x11  }
0xc1: {  	s0 =	sor.u32 s1, s0  }
0xc2: {  	s0 =	sadd.s32 $0x8F2B, s0  }
0xc3: {  	[sflag:s0] =	ssyncadd.remote.s32 $0x1  }
0xc4: {  	_ =	sfence.sel $0xFFFF  }
0xc5: {  	[dreg:$0x0] =	wrdreg $0xFFFFFFFF;
	(pc) =	sbr.abs _section_cstart, $3  }
0xc6: {  	[dreg:$0x1] =	wrdreg $0xFFFFFFFF  }
0xc7: {  	_ =	task.clear_ibuf [dreg:s7], $0x2FFFF;
	_ =	strace $0x9FFFFFFF  }
0xc8: {  	(tm) =	ssettm $0x7FFFFFFF  }
0xc9: {  	_ =	shalt  }
tec
execute0_lowered:
.L_overlay_start_1:
0x0: {  	(tag) =	ssettag $0x1  }
0x1: {  	s0 =	stileid.u32;
	s1 =	srdreg.scid  }
0x2: {  	s1 =	sand.u32 $0x1, s1;
	s2 =	sshll.u32 s0, $0x1  }
0x3: {  	s1 =	sor.u32 s2, s1  }
0x4: {  	s2 =	smul.u32 $0x7D00, s1;
	_ =	sdelay $0x1  }
0x5: {  	s6 =	ssub.s32 $0x61A800, s2  }
0x6: {  	s3 =	rddreg [dreg:$0x0];
	s31 =	smulhi.u32 $0x83126F, s6  }
0x7: {  	s8 =	rddreg [dreg:$0x1];
	s5 =	simm.s32 $0x1  }
0x8: {  	s10 =	simm.s32 $0x3;
	s13 =	simm.s32 $0x0;
	s7 =	sshrl.u32 s31, $0xB  }
0x9: {  	s12 =	simm.s32 $0x0;
	s4 =	sadd.s32 $0x30E600, s8;
	s9 =	smul.u32 $0xFA000, s7  }
.Ltmp0:
0xa: {  	s8 =	sadd.s32 $0x600, s8;
	s1 =	rddreg [dreg:$0x2];
	(pc) =	sbr.rel .LBB2_1-.Ltmp0, $4  }
0xb: {  	_ =	strace $0x8000004A;
	p0 =	sne.s32 s6, s9;
	s9 =	simm.s32 $0x1  }
0xc: {  	[sflag:s5] =	ssyncpa.u1 $0x0;
	s6 =	simm.s32 $0x2;
	s9 =	simm.s32 @!p0 $0x0  }
0xd: {  	s11 =	smov.u32 s2;
	[sflag:s6] =	ssyncpa.u1 $0x0;
	s7 =	sadd.s32 s9, s7  }
0xe: {  	vm0 =	vmmov $0xffff;
	[sflag:s10] =	ssyncpa.u1 $0x0;
	s10 =	simm.s32 $0x0;
	s9 =	sadd.s32 $0x1, s7  }
.LBB2_4:
0xf: {  	vm1 =	veq.s32 v4, $0x80000000;
	v56 =	vand.u32 $0x3F, v4;
	v6 =	vand.u32 $0x1FFFF, v6  }
0x10: {  	v2 =	vor.u32 v2, v5;
	v59 =	vshrl.u32 v1, $0x6;
	v60 =	vand.u32 $0x3F, v1  }
0x11: {  	v4 =	vsel vm1, $0xFFFFFFFF, v56;
	v6 =	vsel vm1, $0xFFFFFFFF, v6;
	v2 =	vor.u32 v3, v2  }
0x12: {  	vm1 =	veq.s32 v1, $0x80000000;
	v5 =	vand.u32 $0x1FFFF, v59;
	v7 =	vshrl.u32 v4, $0x3  }
0x13: {  	v57 =	vshll.u32 v6, $0x3;
	v4 =	vshll.u32 v4, $0x7;
	v1 =	vsel vm1, $0xFFFFFFFF, v60  }
0x14: {  	v5 =	vsel vm1, $0xFFFFFFFF, v5;
	v6 =	vand.u32 $0x7F, v6;
	v7 =	vmul.u32 $0xC3800, v7  }
0x15: {  	v58 =	vand.u32 $0xFFFFFC00, v57;
	v4 =	vand.u32 $0x380, v4;
	v61 =	vshrl.u32 v1, $0x3  }
0x16: {  	v62 =	vshll.u32 v5, $0x3;
	v3 =	vadd.s32 v7, v58;
	v7 =	vmul.u32 $0xC3800, v61  }
0x17: {  	v1 =	vshll.u32 v1, $0x7;
	v3 =	vor.u32 v4, v3;
	v4 =	vand.u32 $0xFFFFFC00, v62  }
0x18: {  	v1 =	vand.u32 $0x380, v1;
	v3 =	vor.u32 v6, v3;
	v4 =	vadd.s32 v7, v4  }
0x19: {  	[tilespmem:s16], [sflag:$0x1] =	stream.indirect_vreg.gather [hbm4b:s3+s10], $0x1, v0, vm0, $0x4038;
	v63 =	vand.u32 $0x7F, v5;
	v1 =	vor.u32 v1, v4;
	[tilespmem:$0x1F400] =	vst v63  }
0x1a: {  	s15 =	sadd.s32 $0x10, s15;
	(ifvalue) =	ssetifvalue $0x7FFFFFFF;
	v0 =	vor.u32 v63, v1  }
0x1b: {  	[tilespmem:s15], [sflag:$0x1] =	stream.indirect_vreg.gather [hbm4b:s3+s10], $0x1, v2, vm0, $0x4038;
	[tilespmem:$0x1F400] =	vst v63  }
0x1c: {  	s15 =	sadd.s32 $0x10, s15;
	(ifvalue) =	ssetifvalue $0x7FFFFFFF  }
0x1d: {  	[tilespmem:s15], [sflag:$0x1] =	stream.indirect_vreg.gather [hbm4b:s3+s10], $0x1, v3, vm0, $0x4038;
	[tilespmem:$0x1F400] =	vst v63  }
0x1e: {  	s15 =	sadd.s32 $0x10, s15;
	(ifvalue) =	ssetifvalue $0x7FFFFFFF  }
0x1f: {  	[tilespmem:s15], [sflag:$0x1] =	stream.indirect_vreg.gather [hbm4b:s3+s10], $0x1, v0, vm0, $0x4038;
	[tilespmem:$0x1F400] =	vst v63  }
0x20: {  	_ =	swait.ge [sflag:s5], $0x7D00  }
0x21: {  	s30 =	sshrl.u32 s13, $0x3;
	[sflag:s5] =	ssyncset.done $0x0  }
0x22: {  	s31 =	sand.u32 $0x7, s13;
	s15 =	sadd.s32 s8, s30;
	[sflag:s5] =	ssyncadd.s32 $0xFFFF8300  }
0x23: {  	[hbm4b:s15+s31] =	stream.linear.scatter [tilespmem:s14], [sflag:$0x3], $0x7D00, $0x38;
	[tilespmem:$0x1F400] =	vst v63  }
.LBB2_5:
0x24: {  	s15 =	sadd.s32 $0xFA000, s11  }
0x25: {  	p1 =	sgt.s32 s15, $0x61A7FF  }
0x26: {  	s15 =	smov.u32 @p1 s2;
	p1 =	sne.s32 s12, s9  }
.Ltmp1:
0x27: {  	p0 =	slt.u32 s12, $0x2;
	(pc) =	sbr.rel @!p1 .LBB2_6-.Ltmp1, $4  }
0x28: {  	s14 =	simm.s32 @!p0 $0x3  }
0x29: {  	_ =	swait.ge @!p0 [sflag:s14], $0x7D00  }
0x2a: {  	s16 =	sadd.s32 $0x1, s12;
	s13 =	smov.u32 s11;
	[sflag:s14] =	ssyncset.done @!p0 $0x0  }
0x2b: {  	s12 =	smov.u32 s16;
	s11 =	smov.u32 s15;
	[sflag:s14] =	ssyncadd.s32 @!p0 $0xFFFF8300  }
.LBB2_1:
0x2c: {  	p0 =	sge.u32 s12, s7  }
0x2d: {  	s14 =	sxor.u32 @!p0 $0xFFFFFFFF, s12  }
0x2e: {  	s14 =	sand.u32 @!p0 $0x1, s14  }
0x2f: {  	s14 =	smul.u32 @!p0 $0x1F400, s14  }
0x30: {  	s31 =	sadd.s32 $0xFFFFFFFF, s12;
	s15 =	sshrl.u32 @!p0 s11, $0x3  }
0x31: {  	s16 =	sand.u32 @!p0 $0x7, s11;
	s15 =	sadd.s32 @!p0 s4, s15;
	s14 =	sshrl.u32 @!p0 s14, $0x2  }
0x32: {  	[tilespmem:s14], [sflag:$0x2] =	stream.linear.gather @!p0 [hbm4b:s15+s16], $0x7D00, $0x38;
	[tilespmem:$0x1F400] =	vst v63  }
0x33: {  	p0 =	sge.u32 s31, s7  }
.Ltmp2:
0x34: {  	_ = 	snop;
	(pc) =	sbr.rel @p0 .LBB2_5-.Ltmp2, $1  }
0x35: {  	_ =	sdelay $0x3  }
0x36: {  	s14 =	sand.u32 $0x1, s12  }
0x37: {  	_ =	swait.ge [sflag:s6], $0x7D00;
	p0 =	seq.s32 s14, $0x1;
	s14 =	simm.s32 $0x7D00  }
0x38: {  	[sflag:s6] =	ssyncset.done $0x0;
	s14 =	simm.s32 @!p0 $0x0  }
0x39: {  	[sflag:s6] =	ssyncadd.s32 $0xFFFF8300;
	(ifvalue) =	ssetifvalue $0x7FFFFFFF;
	v0 =	vld.msk [tilespmem:s14+$0x0 ss:$0x1], $0xffff  }
0x3a: {  	s15 =	sadd.s32 $0x10, s14  }
0x3b: {  	v1 =	vld.msk [tilespmem:s15+$0x0 ss:$0x1], $0xffff;
	_ =	sdelay $0x2  }
0x3c: {  	v2 =	vshrl.u32 v0, $0x6  }
0x3d: {  	vm1 =	veq.s32 v0, $0x80000000;
	v0 =	vand.u32 $0x3F, v0;
	v2 =	vand.u32 $0x1FFFF, v2  }
0x3e: {  	v0 =	vsel vm1, $0xFFFFFFFF, v0;
	v6 =	vshrl.u32 v1, $0x6;
	v2 =	vsel vm1, $0xFFFFFFFF, v2  }
0x3f: {  	v3 =	vshrl.u32 v0, $0x3;
	v0 =	vshll.u32 v0, $0x7;
	vm1 =	veq.s32 v1, $0x80000000  }
0x40: {  	s15 =	sadd.s32 $0x10, s15;
	v1 =	vand.u32 $0x3F, v1;
	v4 =	vshll.u32 v2, $0x3;
	v3 =	vmul.u32 $0xC3800, v3  }
0x41: {  	v0 =	vand.u32 $0x380, v0;
	v7 =	vand.u32 $0x7F, v2;
	v5 =	vand.u32 $0xFFFFFC00, v4;
	v4 =	vld.msk [tilespmem:s15+$0x0 ss:$0x1], $0xffff  }
0x42: {  	v1 =	vsel vm1, $0xFFFFFFFF, v1;
	v2 =	vadd.s32 v3, v5;
	v3 =	vand.u32 $0x1FFFF, v6  }
0x43: {  	v3 =	vsel vm1, $0xFFFFFFFF, v3;
	v0 =	vor.u32 v0, v2;
	v2 =	vshrl.u32 v1, $0x3  }
0x44: {  	v1 =	vshll.u32 v1, $0x7;
	v5 =	vshll.u32 v3, $0x3;
	v8 =	vmul.u32 $0xC3800, v2  }
0x45: {  	s18 =	simm.s32 $0x30;
	s14 =	sadd.s32 $0xFA00, s14;
	s17 =	sadd.s32 $0x10, s15;
	v2 =	vand.u32 $0x380, v1;
	v0 =	vor.u32 v7, v0;
	v5 =	vand.u32 $0xFFFFFC00, v5  }
0x46: {  	s16 =	smov.u32 s14;
	s15 =	smov.u32 s14;
	v1 =	vld.msk [tilespmem:s17+$0x0 ss:$0x1], $0xffff;
	v3 =	vand.u32 $0x7F, v3;
	(ifvalue) =	ssetifvalue $0x7FFFFFFF;
	v6 =	vshrl.u32 v4, $0x6;
	v5 =	vadd.s32 v8, v5  }
.LBB2_3:
0x47: {  	s18 =	sadd.s32 $0x10, s18  }
0x48: {  	vm1 =	veq.s32 v4, $0x80000000;
	v4 =	vand.u32 $0x3F, v4;
	v6 =	vand.u32 $0x1FFFF, v6;
	s15 =	sadd.s32 $0x10, s15;
	p0 =	slt.u32 s18, $0x7CF0  }
.Ltmp3:
0x49: {  	v5 =	vor.u32 v2, v5;
	v4 =	vsel vm1, $0xFFFFFFFF, v4;
	v7 =	vsel vm1, $0xFFFFFFFF, v6;
	(pc) =	sbr.rel @p0 .LBB2_3-.Ltmp3, $4  }
0x4a: {  	v2 =	vshrl.u32 v4, $0x3;
	v6 =	vshll.u32 v7, $0x3;
	v4 =	vshll.u32 v4, $0x7;
	[tilespmem:s16], [sflag:$0x1] =	stream.indirect_vreg.gather [hbm4b:s3+s10], $0x1, v0, vm0, $0x4038;
	[tilespmem:$0x1F400] =	vst v63  }
0x4b: {  	v0 =	vor.u32 v3, v5;
	s16 =	smov.u32 s15;
	v8 =	vmul.u32 $0xC3800, v2;
	v2 =	vand.u32 $0x380, v4  }
0x4c: {  	s17 =	sadd.s32 $0x10, s17;
	v9 =	vand.u32 $0xFFFFFC00, v6  }
0x4d: {  	v3 =	vand.u32 $0x7F, v7;
	v6 =	vshrl.u32 v1, $0x6;
	v5 =	vadd.s32 v8, v9;
	(ifvalue) =	ssetifvalue $0x7FFFFFFF;
	v4 =	vmovc v1;
	v1 =	vld.msk [tilespmem:s17+$0x0 ss:$0x1], $0xffff  }
.Ltmp4:
0x4e: {  	_ = 	snop;
	(pc) =	sbr.rel .LBB2_4-.Ltmp4, $1  }
0x4f: {  	_ =	sdelay $0x3  }
.LBB2_6:
0x50: {  	_ =	sfence.sel $0x180000  }
0x51: {  	s2 =	simm.s32 $0x2;
	[bflag:$0x0] =	sbarrier.arrive $0xFFFF  }
0x52: {  	s30 =	simm.s32 $0x3;
	[sflag:s2] =	ssyncpa.u1 $0x1  }
0x53: {  	s31 =	simm.s32 $0x1;
	[sflag:s30] =	ssyncpa.u1 $0x1  }
0x54: {  	[sflag:s31] =	ssyncpa.u1 $0x1  }
0x55: {  	p0 =	sne.s32 s0, $0x0;
	_ =	strace $0x9000004A  }
0x56: {  	s0 =	sadd.s32 @!p0 $0x100000, s1;
	[bflag:$0x2] =	sbarrier.arrive $0xFFFF  }
0x57: {  	[sflag:s0] =	ssyncadd.tile.s32 @!p0 $0x1;
	_ =	shalt  }
.Lfunc_end2:
_tile_overlayer_lowered:
.L_overlay_start_2:
0x58: {  	(tag) =	ssettag $0x2  }
0x59: {  	s0 =	rddreg [dreg:$0x0];
	s2 =	stileid.u32  }
0x5a: {  	s1 =	rddreg [dreg:$0x1];
	p0 =	sne.s32 s2, $0x0  }
0x5b: {  	s3 =	rddreg [dreg:$0x2];
	[bflag:$0x3] =	sbarrier.arrive $0xFFFF;
	s2 =	simm.s32 @!p0 $0x1C01  }
0x5c: {  	[timem:s3], [sflag:s2] =	dma.local @!p0 [hbm:s0], s1  }
0x5d: {  	s0 =	simm.s32 @!p0 $0x1  }
0x5e: {  	_ =	swait.ge @!p0 [sflag:s0], s1  }
0x5f: {  	s1 =	ssub.s32 @!p0 $0x0, s1;
	[sflag:s0] =	ssyncset.done @!p0 $0x0  }
0x60: {  	[sflag:s0] =	ssyncadd.s32 @!p0 s1  }
0x61: {  	[bflag:$0x3] =	sbarrier.arrive $0xFFFF  }
0x62: {  	_ =	shalt  }

// kernel: gather_offload_async_start
scs
__scs_entry_jumppad:
0x0: {  	(pc) =	sbr.rel $0x88, $3  }
0x1: {  	(tag) =	ssettag $0x0;
	lr =	simm.s32 $0x1  }
0x2: {  	[smem:$0x3F98] =	sst lr;
	_ =	strace $0xD0000000  }
0x3: {  	_ = 	snop  }
0x4: {  	_ = 	snop  }
0x5: {  	_ = 	snop  }
0x6: {  	_ = 	snop  }
0x7: {  	_ = 	snop  }
__scs_overlays_trampoline_lowered:
0x8: {  	[smem:$0x3FA7] =	sst s0  }
0x9: {  	[smem:$0x3FA8] =	sst s1  }
0xa: {  	[smem:$0x3FA9] =	sst s2  }
0xb: {  	[smem:$0x3FAA] =	sst s3  }
0xc: {  	[smem:$0x3FAB] =	sst s4  }
0xd: {  	[smem:$0x3FAC] =	sst s5  }
0xe: {  	[smem:$0x3FAD] =	sst s6  }
0xf: {  	[smem:$0x3FAE] =	sst s7  }
0x10: {  	[smem:$0x3FAF] =	sst s8  }
0x11: {  	[smem:$0x3FB0] =	sst s9;
	s0 =	simm.s32 @!p0 $0x0  }
0x12: {  	s1 =	sld [smem:$0x3F96];
	s0 =	simm.s32 @p0 $0x1  }
0x13: {  	[smem:$0x3FB1] =	sst s0;
	s0 =	simm.s32 @!p1 $0x0  }
0x14: {  	s2 =	sld [smem:$0x3F95];
	s0 =	simm.s32 @p1 $0x1  }
0x15: {  	[smem:$0x3FB2] =	sst s0;
	s0 =	simm.s32 @!p2 $0x0  }
0x16: {  	s3 =	sld [smem:$0x3FDB];
	s0 =	simm.s32 @p2 $0x1  }
0x17: {  	s4 =	simm.s32 $0x1BF5;
	[smem:$0x3FB4] =	sst s0  }
0x18: {  	s0 =	sld [smem:$0x3F97];
	_ =	swait.ge [sflag:s4], $0x0  }
0x19: {  	s7 =	sld [smem:$0x3F98]  }
0x1a: {  	s8 =	sadd.s32 $0xFFFFE003, lr  }
0x1b: {  	s9 =	sadd.s32 $0xFFFFFEF7, lr;
	s5 =	simm.s32 $0xFFFFFFFF;
	p2 =	slt.u32 s8, $0xFFFFF086  }
0x1c: {  	p1 =	slt.u32 s9, $0xF7A;
	s5 =	simm.s32 @!p2 $0x0  }
0x1d: {  	s5 =	simm.s32 @p1 $0x1;
	p0 =	seq.s32 s7, s2  }
0x1e: {  	s7 =	smul.u32 @!p0 $0xF7A, s2;
	p2 =	seq.s32 @!p0 s5, $0x0  }
0x1f: {  	s9 =	smul.u32 $0xF7A, s1;
	s8 =	simm.s32 @!p0 $0x1BF5;
	p2 =	por !p2, p0  }
0x20: {  	[sflag:s8] =	ssyncset.s32 @!p0 $0xFFFFF086;
	s6 =	sadd.s32 @!p0 s3, s7;
	s7 =	simm.s32 @!p0 $0x108  }
0x21: {  	s3 =	sadd.s32 s3, s9;
	s6 =	sadd.s32 @!p0 $0x88, s6;
	s7 =	simm.s32 @p2 $0x1082  }
0x22: {  	[simem:s7], [sflag:s8] =	dma.local @!p0 [hbm:s6], $0xF7A  }
0x23: {  	s9 =	sor.u32 $0xD0000000, s2;
	s6 =	simm.s32 $0x108;
	_ =	swait.ge @!p0 [sflag:s8], $0x0  }
0x24: {  	s3 =	sadd.s32 $0x88, s3;
	s6 =	simm.s32 @!p1 $0x1082;
	[sflag:s4] =	ssyncset.s32 $0xFFFFF086  }
0x25: {  	[simem:s6], [sflag:s4] =	dma.local [hbm:s3], $0xF7A  }
0x26: {  	[smem:$0x3F98] =	sst s1;
	(tag) =	ssettag s2;
	_ =	strace s9  }
0x27: {  	s1 =	sld [smem:$0x3FA8]  }
0x28: {  	s2 =	sld [smem:$0x3FA9]  }
0x29: {  	s4 =	sld [smem:$0x3FAB]  }
0x2a: {  	p0 =	seq.s32 s5, $0x0;
	s5 =	sld [smem:$0x3FAC]  }
0x2b: {  	s6 =	sld [smem:$0x3FAD]  }
0x2c: {  	s7 =	sld [smem:$0x3FAE]  }
0x2d: {  	s3 =	simm.s32 $0x108;
	s8 =	sld [smem:$0x3FAF]  }
0x2e: {  	s3 =	simm.s32 @!p0 $0x1082;
	s9 =	sld [smem:$0x3FB0]  }
0x2f: {  	lr =	sadd.s32 s0, s3;
	s0 =	sld [smem:$0x3FA7]  }
0x30: {  	s3 =	sld [smem:$0x3FAA]  }
0x31: {  	[smem:$0x3FB3] =	sst s10  }
0x32: {  	s10 =	sld [smem:$0x3FB1];
	_ =	sdelay $0x3  }
0x33: {  	p0 =	seq.s32 s10, $0x1;
	s10 =	sld [smem:$0x3FB3];
	_ =	sdelay $0x3  }
0x34: {  	[smem:$0x3FB3] =	sst s10  }
0x35: {  	s10 =	sld [smem:$0x3FB2];
	_ =	sdelay $0x3  }
0x36: {  	p1 =	seq.s32 s10, $0x1;
	s10 =	sld [smem:$0x3FB3];
	_ =	sdelay $0x3  }
0x37: {  	[smem:$0x3FB3] =	sst s10  }
0x38: {  	s10 =	sld [smem:$0x3FB4]  }
0x39: {  	_ = 	snop;
	(pc) =	sbr.ind lr, $3  }
0x3a: {  	_ = 	snop  }
0x3b: {  	_ = 	snop  }
0x3c: {  	p2 =	seq.s32 s10, $0x1;
	s10 =	sld [smem:$0x3FB3]  }
0x3d: {  	_ =	shalt  }
0x3e: {  	_ =	shalt  }
0x3f: {  	_ =	shalt  }
0x40: {  	_ =	shalt  }
0x41: {  	_ =	shalt  }
0x42: {  	_ =	shalt  }
0x43: {  	_ =	shalt  }
0x44: {  	_ =	shalt  }
0x45: {  	_ =	shalt  }
0x46: {  	_ =	shalt  }
0x47: {  	_ =	shalt  }
0x48: {  	_ =	shalt  }
0x49: {  	_ =	shalt  }
0x4a: {  	_ =	shalt  }
0x4b: {  	_ =	shalt  }
0x4c: {  	_ =	shalt  }
0x4d: {  	_ =	shalt  }
0x4e: {  	_ =	shalt  }
0x4f: {  	_ =	shalt  }
0x50: {  	_ =	shalt  }
0x51: {  	_ =	shalt  }
0x52: {  	_ =	shalt  }
0x53: {  	_ =	shalt  }
0x54: {  	_ =	shalt  }
0x55: {  	_ =	shalt  }
0x56: {  	_ =	shalt  }
0x57: {  	_ =	shalt  }
0x58: {  	_ =	shalt  }
0x59: {  	_ =	shalt  }
0x5a: {  	_ =	shalt  }
0x5b: {  	_ =	shalt  }
0x5c: {  	_ =	shalt  }
0x5d: {  	_ =	shalt  }
0x5e: {  	_ =	shalt  }
0x5f: {  	_ =	shalt  }
0x60: {  	_ =	shalt  }
0x61: {  	_ =	shalt  }
0x62: {  	_ =	shalt  }
0x63: {  	_ =	shalt  }
0x64: {  	_ =	shalt  }
0x65: {  	_ =	shalt  }
0x66: {  	_ =	shalt  }
0x67: {  	_ =	shalt  }
0x68: {  	_ =	shalt  }
0x69: {  	_ =	shalt  }
0x6a: {  	_ =	shalt  }
0x6b: {  	_ =	shalt  }
0x6c: {  	_ =	shalt  }
0x6d: {  	_ =	shalt  }
0x6e: {  	_ =	shalt  }
0x6f: {  	_ =	shalt  }
0x70: {  	_ =	shalt  }
0x71: {  	_ =	shalt  }
0x72: {  	_ =	shalt  }
0x73: {  	_ =	shalt  }
0x74: {  	_ =	shalt  }
0x75: {  	_ =	shalt  }
0x76: {  	_ =	shalt  }
0x77: {  	_ =	shalt  }
0x78: {  	_ =	shalt  }
0x79: {  	_ =	shalt  }
0x7a: {  	_ =	shalt  }
0x7b: {  	_ =	shalt  }
0x7c: {  	_ =	shalt  }
0x7d: {  	_ =	shalt  }
0x7e: {  	_ =	shalt  }
0x7f: {  	_ =	shalt  }
0x80: {  	_ =	shalt  }
0x81: {  	_ =	shalt  }
0x82: {  	_ =	shalt  }
0x83: {  	_ =	shalt  }
0x84: {  	_ =	shalt  }
0x85: {  	_ =	shalt  }
0x86: {  	_ =	shalt  }
0x87: {  	_ =	shalt  }
.Lfunc_end0:
.L_simem_size_0:
called_computation_lowered:
.L_overlay_start_0:
0x88: {  	s2 =	sld [smem:$0x3FD9]  }
0x89: {  	s3 =	sld [smem:$0x3FFE];
	_ =	sdelay $0x1  }
0x8a: {  	s1 =	srdreg.scid  }
0x8b: {  	s0 =	sand.u32 $0x1, s1  }
0x8c: {  	s14 =	sshll.u32 s0, $0xA;
	s2 =	sadd.s32 s3, s2  }
0x8d: {  	s2 =	sadd.s32 s2, s14  }
0x8e: {  	[smem:$0x3FBF] =	sst s2  }
0x8f: {  	_ = 	snop  }
0x90: {  	s2 =	sld [smem:$0x3FD0];
	_ =	sdelay $0x2  }
0x91: {  	s15 =	simm.s32 $0xA;
	s4 =	simm.s32 $0x10  }
0x92: {  	[smem:s4], [sflag:s15] =	dma.local [hbm:s2], $0x1  }
0x93: {  	_ =	swait.eq [sflag:s15], $0x1  }
0x94: {  	[sflag:s15] =	ssyncset.done $0x0  }
0x95: {  	[sflag:s15] =	ssyncadd.s32 $0xFFFFFFFF  }
0x96: {  	s16 =	sld [smem:$0x12];
	(tm) =	ssettm $0x1  }
0x97: {  	s17 =	sld [smem:$0x3FFB];
	_ =	sdelay $0x3  }
0x98: {  	_ =	strace s17  }
0x99: {  	s3 =	sld [smem:$0x3FFC];
	_ =	sdelay $0x3  }
0x9a: {  	_ =	strace s3  }
0x9b: {  	s3 =	sld [smem:$0x3FFD];
	_ =	sdelay $0x3  }
0x9c: {  	_ =	strace s3  }
0x9d: {  	_ =	strace $0x8FFFFFFF  }
0x9e: {  	s18 =	sld [smem:$0x3FDB];
	_ =	sdelay $0x1  }
0x9f: {  	s19 =	simm.s32 $_scs_section_size  }
0xa0: {  	s5 =	simm.s32 $_size__tile_overlayer_lowered;
	s6 =	simm.s32 $_tile_overlayer_lowered  }
0xa1: {  	s22 =	simm.s32 $0x1BFF;
	s21 =	sshll.u32 s6, $0x1;
	s3 =	sadd.s32 s19, s18  }
0xa2: {  	s7 =	simm.s32 $0x0;
	s20 =	sshll.u32 s5, $0x1;
	s5 =	sadd.s32 s21, s3  }
0xa3: {  	[timem:s7], [sflag:s22] =	dma.local [hbm:s5], s20  }
0xa4: {  	_ =	swait.ge [sflag:s22], s20  }
0xa5: {  	s4 =	ssub.s32 $0x0, s20;
	[sflag:s22] =	ssyncset.done $0x0  }
0xa6: {  	[sflag:s22] =	ssyncadd.s32 s4;
	_ =	sdelay $0x1  }
0xa7: {  	s23 =	simm.s32 $0x1B8B  }
0xa8: {  	_ =	swait.ge [sflag:s23], $0x1  }
0xa9: {  	[sflag:s23] =	ssyncset.done $0x0  }
0xaa: {  	s25 =	simm.s32 $0x1B8E;
	s24 =	sld [smem:$0x3FFE];
	[sflag:s23] =	ssyncadd.s32 $0xFFFFFFFF  }
0xab: {  	s26 =	simm.s32 $execute0_lowered;
	[smem:$0x3FD2] =	sst s25  }
0xac: {  	s5 =	sshll.u32 s26, $0x1;
	_ =	strace $0x80000046;
	[dreg:$0x1] =	wrdreg $0xFFFFFFFF  }
0xad: {  	s28 =	simm.s32 $_size_execute0_lowered;
	s3 =	sadd.s32 s3, s5;
	[dreg:$0x0] =	wrdreg $0x0  }
0xae: {  	s5 =	sshll.u32 s28, $0x1;
	[dreg:$0x2] =	wrdreg s3  }
0xaf: {  	[dreg:$0x3] =	wrdreg s5  }
0xb0: {  	[dreg:$0x4] =	wrdreg $0xC0  }
0xb1: {  	_ =	task [dreg:s7], $0x5FFFF  }
0xb2: {  	[dreg:$0x1] =	wrdreg $0xFFFFFFFF  }
0xb3: {  	[dreg:$0x0] =	wrdreg $0x60  }
0xb4: {  	[dreg:$0x2] =	wrdreg s16  }
0xb5: {  	[dreg:$0x3] =	wrdreg s24  }
0xb6: {  	[dreg:$0x4] =	wrdreg $0x9  }
0xb7: {  	_ =	task.clear_ibuf [dreg:s7], $0x5FFFF;
	_ =	strace $0x90000046  }
0xb8: {  	s29 =	simm.s32 $0x9;
	_ =	strace $0x80000048  }
0xb9: {  	_ =	swait.ge [sflag:s29], $0x1  }
0xba: {  	[sflag:s29] =	ssyncadd.s32 $0xFFFFFFFF  }
0xbb: {  	_ =	strace $0x90000048  }
0xbc: {  	_ =	sfence  }
0xbd: {  	s30 =	sld [smem:$0x0];
	_ =	sdelay $0x2  }
0xbe: {  	s31 =	sshll.u32 s1, $0xD;
	s1 =	sshrl.u32 s1, $0x2  }
0xbf: {  	s3 =	sand.u32 $0x4000, s31;
	s1 =	sadd.s32 s1, s30  }
0xc0: {  	s0 =	sor.u32 s3, s0;
	s1 =	sshll.u32 s1, $0x11  }
0xc1: {  	s0 =	sor.u32 s1, s0  }
0xc2: {  	s0 =	sadd.s32 $0x8F2B, s0  }
0xc3: {  	[sflag:s0] =	ssyncadd.remote.s32 $0x1  }
0xc4: {  	_ =	sfence.sel $0xFFFF  }
0xc5: {  	[dreg:$0x0] =	wrdreg $0xFFFFFFFF;
	(pc) =	sbr.abs _section_cstart, $3  }
0xc6: {  	[dreg:$0x1] =	wrdreg $0xFFFFFFFF  }
0xc7: {  	_ =	task.clear_ibuf [dreg:s7], $0x2FFFF;
	_ =	strace $0x9FFFFFFF  }
0xc8: {  	(tm) =	ssettm $0x7FFFFFFF  }
0xc9: {  	_ =	shalt  }
tec
execute0_lowered:
.L_overlay_start_1:
0x0: {  	(tag) =	ssettag $0x1  }
0x1: {  	s0 =	stileid.u32;
	s1 =	srdreg.scid  }
0x2: {  	s1 =	sand.u32 $0x1, s1;
	s2 =	sshll.u32 s0, $0x1  }
0x3: {  	s1 =	sor.u32 s2, s1  }
0x4: {  	s2 =	smul.u32 $0x7D00, s1;
	_ =	sdelay $0x1  }
0x5: {  	s6 =	ssub.s32 $0x61A800, s2  }
0x6: {  	s3 =	rddreg [dreg:$0x0];
	s31 =	smulhi.u32 $0x83126F, s6  }
0x7: {  	s8 =	rddreg [dreg:$0x1];
	s5 =	simm.s32 $0x1  }
0x8: {  	s10 =	simm.s32 $0x3;
	s13 =	simm.s32 $0x0;
	s7 =	sshrl.u32 s31, $0xB  }
0x9: {  	s12 =	simm.s32 $0x0;
	s4 =	sadd.s32 $0x600, s8;
	s9 =	smul.u32 $0xFA000, s7  }
.Ltmp0:
0xa: {  	s8 =	sadd.s32 $0x187600, s8;
	s1 =	rddreg [dreg:$0x2];
	(pc) =	sbr.rel .LBB2_1-.Ltmp0, $4  }
0xb: {  	_ =	strace $0x80000047;
	p0 =	sne.s32 s6, s9;
	s9 =	simm.s32 $0x1  }
0xc: {  	[sflag:s5] =	ssyncpa.u1 $0x0;
	s6 =	simm.s32 $0x2;
	s9 =	simm.s32 @!p0 $0x0  }
0xd: {  	s11 =	smov.u32 s2;
	[sflag:s6] =	ssyncpa.u1 $0x0;
	s7 =	sadd.s32 s9, s7  }
0xe: {  	vm0 =	vmmov $0xffff;
	[sflag:s10] =	ssyncpa.u1 $0x0;
	s10 =	simm.s32 $0x0;
	s9 =	sadd.s32 $0x1, s7  }
.LBB2_4:
0xf: {  	vm1 =	veq.s32 v4, $0x80000000;
	v56 =	vand.u32 $0x3F, v4;
	v6 =	vand.u32 $0x1FFFF, v6  }
0x10: {  	v2 =	vor.u32 v2, v5;
	v59 =	vshrl.u32 v1, $0x6;
	v60 =	vand.u32 $0x3F, v1  }
0x11: {  	v4 =	vsel vm1, $0xFFFFFFFF, v56;
	v6 =	vsel vm1, $0xFFFFFFFF, v6;
	v2 =	vor.u32 v3, v2  }
0x12: {  	vm1 =	veq.s32 v1, $0x80000000;
	v5 =	vand.u32 $0x1FFFF, v59;
	v7 =	vshrl.u32 v4, $0x3  }
0x13: {  	v57 =	vshll.u32 v6, $0x3;
	v4 =	vshll.u32 v4, $0x7;
	v1 =	vsel vm1, $0xFFFFFFFF, v60  }
0x14: {  	v5 =	vsel vm1, $0xFFFFFFFF, v5;
	v6 =	vand.u32 $0x7F, v6;
	v7 =	vmul.u32 $0xC3800, v7  }
0x15: {  	v58 =	vand.u32 $0xFFFFFC00, v57;
	v4 =	vand.u32 $0x380, v4;
	v61 =	vshrl.u32 v1, $0x3  }
0x16: {  	v62 =	vshll.u32 v5, $0x3;
	v3 =	vadd.s32 v7, v58;
	v7 =	vmul.u32 $0xC3800, v61  }
0x17: {  	v1 =	vshll.u32 v1, $0x7;
	v3 =	vor.u32 v4, v3;
	v4 =	vand.u32 $0xFFFFFC00, v62  }
0x18: {  	v1 =	vand.u32 $0x380, v1;
	v3 =	vor.u32 v6, v3;
	v4 =	vadd.s32 v7, v4  }
0x19: {  	[tilespmem:s16], [sflag:$0x1] =	stream.indirect_vreg.gather [hbm4b:s3+s10], $0x1, v0, vm0, $0x4038;
	v63 =	vand.u32 $0x7F, v5;
	v1 =	vor.u32 v1, v4;
	[tilespmem:$0x1F400] =	vst v63  }
0x1a: {  	s15 =	sadd.s32 $0x10, s15;
	(ifvalue) =	ssetifvalue $0x7FFFFFFF;
	v0 =	vor.u32 v63, v1  }
0x1b: {  	[tilespmem:s15], [sflag:$0x1] =	stream.indirect_vreg.gather [hbm4b:s3+s10], $0x1, v2, vm0, $0x4038;
	[tilespmem:$0x1F400] =	vst v63  }
0x1c: {  	s15 =	sadd.s32 $0x10, s15;
	(ifvalue) =	ssetifvalue $0x7FFFFFFF  }
0x1d: {  	[tilespmem:s15], [sflag:$0x1] =	stream.indirect_vreg.gather [hbm4b:s3+s10], $0x1, v3, vm0, $0x4038;
	[tilespmem:$0x1F400] =	vst v63  }
0x1e: {  	s15 =	sadd.s32 $0x10, s15;
	(ifvalue) =	ssetifvalue $0x7FFFFFFF  }
0x1f: {  	[tilespmem:s15], [sflag:$0x1] =	stream.indirect_vreg.gather [hbm4b:s3+s10], $0x1, v0, vm0, $0x4038;
	[tilespmem:$0x1F400] =	vst v63  }
0x20: {  	_ =	swait.ge [sflag:s5], $0x7D00  }
0x21: {  	s30 =	sshrl.u32 s13, $0x3;
	[sflag:s5] =	ssyncset.done $0x0  }
0x22: {  	s31 =	sand.u32 $0x7, s13;
	s15 =	sadd.s32 s8, s30;
	[sflag:s5] =	ssyncadd.s32 $0xFFFF8300  }
0x23: {  	[hbm4b:s15+s31] =	stream.linear.scatter [tilespmem:s14], [sflag:$0x3], $0x7D00, $0x38;
	[tilespmem:$0x1F400] =	vst v63  }
.LBB2_5:
0x24: {  	s15 =	sadd.s32 $0xFA000, s11  }
0x25: {  	p1 =	sgt.s32 s15, $0x61A7FF  }
0x26: {  	s15 =	smov.u32 @p1 s2;
	p1 =	sne.s32 s12, s9  }
.Ltmp1:
0x27: {  	p0 =	slt.u32 s12, $0x2;
	(pc) =	sbr.rel @!p1 .LBB2_6-.Ltmp1, $4  }
0x28: {  	s14 =	simm.s32 @!p0 $0x3  }
0x29: {  	_ =	swait.ge @!p0 [sflag:s14], $0x7D00  }
0x2a: {  	s16 =	sadd.s32 $0x1, s12;
	s13 =	smov.u32 s11;
	[sflag:s14] =	ssyncset.done @!p0 $0x0  }
0x2b: {  	s12 =	smov.u32 s16;
	s11 =	smov.u32 s15;
	[sflag:s14] =	ssyncadd.s32 @!p0 $0xFFFF8300  }
.LBB2_1:
0x2c: {  	p0 =	sge.u32 s12, s7  }
0x2d: {  	s14 =	sxor.u32 @!p0 $0xFFFFFFFF, s12  }
0x2e: {  	s14 =	sand.u32 @!p0 $0x1, s14  }
0x2f: {  	s14 =	smul.u32 @!p0 $0x1F400, s14  }
0x30: {  	s31 =	sadd.s32 $0xFFFFFFFF, s12;
	s15 =	sshrl.u32 @!p0 s11, $0x3  }
0x31: {  	s16 =	sand.u32 @!p0 $0x7, s11;
	s15 =	sadd.s32 @!p0 s4, s15;
	s14 =	sshrl.u32 @!p0 s14, $0x2  }
0x32: {  	[tilespmem:s14], [sflag:$0x2] =	stream.linear.gather @!p0 [hbm4b:s15+s16], $0x7D00, $0x38;
	[tilespmem:$0x1F400] =	vst v63  }
0x33: {  	p0 =	sge.u32 s31, s7  }
.Ltmp2:
0x34: {  	_ = 	snop;
	(pc) =	sbr.rel @p0 .LBB2_5-.Ltmp2, $1  }
0x35: {  	_ =	sdelay $0x3  }
0x36: {  	s14 =	sand.u32 $0x1, s12  }
0x37: {  	_ =	swait.ge [sflag:s6], $0x7D00;
	p0 =	seq.s32 s14, $0x1;
	s14 =	simm.s32 $0x7D00  }
0x38: {  	[sflag:s6] =	ssyncset.done $0x0;
	s14 =	simm.s32 @!p0 $0x0  }
0x39: {  	[sflag:s6] =	ssyncadd.s32 $0xFFFF8300;
	(ifvalue) =	ssetifvalue $0x7FFFFFFF;
	v0 =	vld.msk [tilespmem:s14+$0x0 ss:$0x1], $0xffff  }
0x3a: {  	s15 =	sadd.s32 $0x10, s14  }
0x3b: {  	v1 =	vld.msk [tilespmem:s15+$0x0 ss:$0x1], $0xffff;
	_ =	sdelay $0x2  }
0x3c: {  	v2 =	vshrl.u32 v0, $0x6  }
0x3d: {  	vm1 =	veq.s32 v0, $0x80000000;
	v0 =	vand.u32 $0x3F, v0;
	v2 =	vand.u32 $0x1FFFF, v2  }
0x3e: {  	v0 =	vsel vm1, $0xFFFFFFFF, v0;
	v6 =	vshrl.u32 v1, $0x6;
	v2 =	vsel vm1, $0xFFFFFFFF, v2  }
0x3f: {  	v3 =	vshrl.u32 v0, $0x3;
	v0 =	vshll.u32 v0, $0x7;
	vm1 =	veq.s32 v1, $0x80000000  }
0x40: {  	s15 =	sadd.s32 $0x10, s15;
	v1 =	vand.u32 $0x3F, v1;
	v4 =	vshll.u32 v2, $0x3;
	v3 =	vmul.u32 $0xC3800, v3  }
0x41: {  	v0 =	vand.u32 $0x380, v0;
	v7 =	vand.u32 $0x7F, v2;
	v5 =	vand.u32 $0xFFFFFC00, v4;
	v4 =	vld.msk [tilespmem:s15+$0x0 ss:$0x1], $0xffff  }
0x42: {  	v1 =	vsel vm1, $0xFFFFFFFF, v1;
	v2 =	vadd.s32 v3, v5;
	v3 =	vand.u32 $0x1FFFF, v6  }
0x43: {  	v3 =	vsel vm1, $0xFFFFFFFF, v3;
	v0 =	vor.u32 v0, v2;
	v2 =	vshrl.u32 v1, $0x3  }
0x44: {  	v1 =	vshll.u32 v1, $0x7;
	v5 =	vshll.u32 v3, $0x3;
	v8 =	vmul.u32 $0xC3800, v2  }
0x45: {  	s18 =	simm.s32 $0x30;
	s14 =	sadd.s32 $0xFA00, s14;
	s17 =	sadd.s32 $0x10, s15;
	v2 =	vand.u32 $0x380, v1;
	v0 =	vor.u32 v7, v0;
	v5 =	vand.u32 $0xFFFFFC00, v5  }
0x46: {  	s16 =	smov.u32 s14;
	s15 =	smov.u32 s14;
	v1 =	vld.msk [tilespmem:s17+$0x0 ss:$0x1], $0xffff;
	v3 =	vand.u32 $0x7F, v3;
	(ifvalue) =	ssetifvalue $0x7FFFFFFF;
	v6 =	vshrl.u32 v4, $0x6;
	v5 =	vadd.s32 v8, v5  }
.LBB2_3:
0x47: {  	s18 =	sadd.s32 $0x10, s18  }
0x48: {  	vm1 =	veq.s32 v4, $0x80000000;
	v4 =	vand.u32 $0x3F, v4;
	v6 =	vand.u32 $0x1FFFF, v6;
	s15 =	sadd.s32 $0x10, s15;
	p0 =	slt.u32 s18, $0x7CF0  }
.Ltmp3:
0x49: {  	v5 =	vor.u32 v2, v5;
	v4 =	vsel vm1, $0xFFFFFFFF, v4;
	v7 =	vsel vm1, $0xFFFFFFFF, v6;
	(pc) =	sbr.rel @p0 .LBB2_3-.Ltmp3, $4  }
0x4a: {  	v2 =	vshrl.u32 v4, $0x3;
	v6 =	vshll.u32 v7, $0x3;
	v4 =	vshll.u32 v4, $0x7;
	[tilespmem:s16], [sflag:$0x1] =	stream.indirect_vreg.gather [hbm4b:s3+s10], $0x1, v0, vm0, $0x4038;
	[tilespmem:$0x1F400] =	vst v63  }
0x4b: {  	v0 =	vor.u32 v3, v5;
	s16 =	smov.u32 s15;
	v8 =	vmul.u32 $0xC3800, v2;
	v2 =	vand.u32 $0x380, v4  }
0x4c: {  	s17 =	sadd.s32 $0x10, s17;
	v9 =	vand.u32 $0xFFFFFC00, v6  }
0x4d: {  	v3 =	vand.u32 $0x7F, v7;
	v6 =	vshrl.u32 v1, $0x6;
	v5 =	vadd.s32 v8, v9;
	(ifvalue) =	ssetifvalue $0x7FFFFFFF;
	v4 =	vmovc v1;
	v1 =	vld.msk [tilespmem:s17+$0x0 ss:$0x1], $0xffff  }
.Ltmp4:
0x4e: {  	_ = 	snop;
	(pc) =	sbr.rel .LBB2_4-.Ltmp4, $1  }
0x4f: {  	_ =	sdelay $0x3  }
.LBB2_6:
0x50: {  	_ =	sfence.sel $0x180000  }
0x51: {  	s2 =	simm.s32 $0x2;
	[bflag:$0x0] =	sbarrier.arrive $0xFFFF  }
0x52: {  	s30 =	simm.s32 $0x3;
	[sflag:s2] =	ssyncpa.u1 $0x1  }
0x53: {  	s31 =	simm.s32 $0x1;
	[sflag:s30] =	ssyncpa.u1 $0x1  }
0x54: {  	[sflag:s31] =	ssyncpa.u1 $0x1  }
0x55: {  	p0 =	sne.s32 s0, $0x0;
	_ =	strace $0x90000047  }
0x56: {  	s0 =	sadd.s32 @!p0 $0x100000, s1;
	[bflag:$0x2] =	sbarrier.arrive $0xFFFF  }
0x57: {  	[sflag:s0] =	ssyncadd.tile.s32 @!p0 $0x1;
	_ =	shalt  }
.Lfunc_end2:
_tile_overlayer_lowered:
.L_overlay_start_2:
0x58: {  	(tag) =	ssettag $0x2  }
0x59: {  	s0 =	rddreg [dreg:$0x0];
	s2 =	stileid.u32  }
0x5a: {  	s1 =	rddreg [dreg:$0x1];
	p0 =	sne.s32 s2, $0x0  }
0x5b: {  	s3 =	rddreg [dreg:$0x2];
	[bflag:$0x3] =	sbarrier.arrive $0xFFFF;
	s2 =	simm.s32 @!p0 $0x1C01  }
0x5c: {  	[timem:s3], [sflag:s2] =	dma.local @!p0 [hbm:s0], s1  }
0x5d: {  	s0 =	simm.s32 @!p0 $0x1  }
0x5e: {  	_ =	swait.ge @!p0 [sflag:s0], s1  }
0x5f: {  	s1 =	ssub.s32 @!p0 $0x0, s1;
	[sflag:s0] =	ssyncset.done @!p0 $0x0  }
0x60: {  	[sflag:s0] =	ssyncadd.s32 @!p0 s1  }
0x61: {  	[bflag:$0x3] =	sbarrier.arrive $0xFFFF  }
0x62: {  	_ =	shalt  }

</sc_bundles>
